<compile_context>
chip_gen: v7x
topology: tpu7x:2x2x1
jax: 0.10.2.dev20260603
libtpu: 0.0.44.dev20260713+nightly
codegen_flags: <defaults>
</compile_context>

<pallas_src>
import functools

import jax
import jax.numpy as jnp
from jax import lax
from jax.experimental import pallas as pl
from jax.experimental.pallas import tpu as pltpu
from jax.experimental.pallas import tpu_sc as plsc

_DIM = 32
_NC = 2
_NS = 16
_NW = _NC * _NS
_BC = 1024


@functools.lru_cache(maxsize=None)
def _make_gather(F: int, B: int):
    n_chunks = B // _BC
    n_tasks = F * n_chunks
    tasks_per_w = n_tasks // _NW
    n_pairs = (tasks_per_w - 1) // 2
    nbb = _BC // 128
    mesh = plsc.VectorSubcoreMesh(core_axis_name="c", subcore_axis_name="s")

    @functools.partial(
        pl.kernel,
        mesh=mesh,
        out_type=jax.ShapeDtypeStruct((F, (_DIM // 8) * (B // 128) * 8, 128),
                                      jnp.float32),
        scratch_types=[
            pltpu.VMEM((_BC,), jnp.int32),
            pltpu.VMEM((_BC,), jnp.int32),
            pltpu.VMEM((_BC, _DIM), jnp.float32),
            pltpu.VMEM((_BC, _DIM), jnp.float32),
            pltpu.VMEM((_DIM // 8, nbb * 8, 129), jnp.float32),
            pltpu.SemaphoreType.DMA,
            pltpu.SemaphoreType.DMA,
        ],
        compiler_params=pltpu.CompilerParams(
            use_tc_tiling_on_sc=False, needs_layout_passes=False),
    )
    def _k(table_hbm, idx_hbm, out_hbm,
           idx_v0, idx_v1, rows_v0, rows_v1, tr_v, sem0, sem1):
        wid = lax.axis_index("s") * _NC + lax.axis_index("c")
        lane = lax.iota(jnp.int32, 16)
        idx_bufs = (idx_v0, idx_v1)
        rows_bufs = (rows_v0, rows_v1)
        sems = (sem0, sem1)

        def fc(k):
            t = wid + _NW * k
            return t // n_chunks, t % n_chunks

        def fire(k, b):
            f, c = fc(k)
            pltpu.sync_copy(idx_hbm.at[pl.ds(f * B + c * _BC, _BC)],
                            idx_bufs[b])
            pltpu.async_copy(table_hbm.at[idx_bufs[b]], rows_bufs[b], sems[b])

        def process(k, b):
            f, c = fc(k)
            pltpu.make_async_copy(table_hbm.at[idx_bufs[b]], rows_bufs[b],
                                  sems[b]).wait()

            lane7 = lane & 7
            off0 = (lane >> 3, (lane >> 3) + 2)

            @plsc.parallel_loop(0, _BC, 1, unroll=4)
            def tr_row(r):
                d1v = lane7 + ((r >> 7) << 3)
                d2v = lane * 0 + (r & 127)
                for h in range(2):
                    vals = rows_bufs[b][r, pl.ds(h * 16, 16)]
                    plsc.store_scatter(tr_v, [off0[h], d1v, d2v], vals)

            for dblk in range(_DIM // 8):
                pltpu.sync_copy(
                    tr_v.at[dblk, :, pl.ds(0, 128)],
                    out_hbm.at[f, pl.ds(dblk * (B // 16) + c * nbb * 8,
                                        nbb * 8), :],
                )

        fire(0, 0)

        def pair(g, carry):
            fire(2 * g + 1, 1)
            process(2 * g, 0)
            fire(2 * g + 2, 0)
            process(2 * g + 1, 1)
            return carry

        lax.fori_loop(0, n_pairs, pair, 0)
        process(tasks_per_w - 1, 0)

    return _k


def kernel(x, table):
    b, f = x.shape
    idx_f = jnp.reshape(x.T, (-1,))
    out_b = _make_gather(f, b)(table, idx_f)
    out5 = jnp.reshape(out_b, (f, _DIM // 8, b // 128, 8, 128))
    return jnp.transpose(out5, (2, 4, 0, 1, 3)).reshape(b, f, _DIM)

# --- scband reference (transcript-rebuilt; emitter-appended) ---
"""Pipeline reference for scband-edge-embedding-84026740179713 (READ-ONLY COPY).

The authoritative reference and input builder live on the scoring server;
editing this copy changes nothing except your own understanding.
"""

import jax, jax.numpy as jnp
import numpy as np

VOCAB = 1000000
DIM = 32
PAD = VOCAB - 1

def setup_inputs(seed: int = 0) -> dict:
    key = jax.random.key(seed)
    k1, k2 = jax.random.split(key)
    x = jax.random.randint(k1, (16384, 50), 0, VOCAB, dtype=jnp.int32)
    table = jax.random.normal(k2, (VOCAB, DIM), dtype=jnp.float32)
    # nn.Embedding with padding_idx=max_value-1 zero-initializes the padding row
    table = table.at[PAD].set(0.0)
    return {"x": x, "table": table}

def reference(x, table):
    # EdgeEmbedding with num_edge_features == 1 -> nn.Embedding lookup
    return jnp.take(table, x, axis=0)

if __name__ == "__main__":
    import jax
    _d = setup_inputs()
    print(jax.jit(kernel)(*tuple(_d.values())))

</pallas_src>

<mosaic_0001>
#map = affine_map<(d0, d1) -> (0, 0)>
#map1 = affine_map<(d0, d1) -> (0)>
#map2 = affine_map<(d0, d1) -> (0, 0, 0)>
module attributes {stable_mosaic.version = 14 : i64} {
  func.func @_k(%arg0: i32, %arg1: i32, %arg2: memref<1000000x32xf32, #tpu.memory_space<hbm>>, %arg3: memref<819200xi32, #tpu.memory_space<hbm>>, %arg4: memref<50x4096x128xf32, #tpu.memory_space<hbm>>, %arg5: memref<1024xi32, #tpu.memory_space<vmem>>, %arg6: memref<1024xi32, #tpu.memory_space<vmem>>, %arg7: memref<1024x32xf32, #tpu.memory_space<vmem>>, %arg8: memref<1024x32xf32, #tpu.memory_space<vmem>>, %arg9: memref<4x64x129xf32, #tpu.memory_space<vmem>>, %arg10: memref<!tpu.dma_semaphore, #tpu.memory_space<semaphore_mem>>, %arg11: memref<!tpu.dma_semaphore, #tpu.memory_space<semaphore_mem>>) attributes {dimension_semantics = [#tpu.dimension_semantics<core_parallel>, #tpu.dimension_semantics<subcore_parallel>], iteration_bounds = array<i64: 2, 16>, scalar_prefetch = 0 : i64, scratch_operands = 7 : i64, tpu.core_type = #tpu.core_type<sc_vector_subcore>, window_params = [{transform_indices = #map}, {transform_indices = #map1}, {transform_indices = #map2}]} {
    %mul3A = arith.constant 2 : i32
    %mul3A_0 = arith.muli %arg1, %mul3A : i32
    %add3A = arith.addi %mul3A_0, %arg0 : i32
    %iota3A = tpu.iota {dimensions = array<i32: 0>} : vector<16xi32>
    %add3A_1 = arith.constant 0 : i32
    %add3A_2 = arith.addi %add3A, %add3A_1 : i32
    %jit3A = arith.constant 16 : i32
    %div3A = arith.divsi %add3A_2, %jit3A : i32
    %sign3A = arith.constant 0 : i32
    %sign3A_3 = arith.cmpi sgt, %add3A_2, %sign3A : i32
    %sign3A_4 = arith.extui %sign3A_3 : i1 to i32
    %sign3A_5 = arith.constant 0 : i32
    %sign3A_6 = arith.cmpi slt, %add3A_2, %sign3A_5 : i32
    %sign3A_7 = arith.extui %sign3A_6 : i1 to i32
    %sign3A_8 = arith.subi %sign3A_4, %sign3A_7 : i32
    %sign3A_9 = arith.constant 0 : i32
    %sign3A_10 = arith.cmpi sgt, %jit3A, %sign3A_9 : i32
    %sign3A_11 = arith.extui %sign3A_10 : i1 to i32
    %sign3A_12 = arith.constant 0 : i32
    %sign3A_13 = arith.cmpi slt, %jit3A, %sign3A_12 : i32
    %sign3A_14 = arith.extui %sign3A_13 : i1 to i32
    %sign3A_15 = arith.subi %sign3A_11, %sign3A_14 : i32
    %ne3A = arith.cmpi ne, %sign3A_8, %sign3A_15 : i32
    %rem3A = arith.remsi %add3A_2, %jit3A : i32
    %ne3A_16 = arith.constant 0 : i32
    %ne3A_17 = arith.cmpi ne, %rem3A, %ne3A_16 : i32
    %and3A = arith.andi %ne3A, %ne3A_17 : i1
    %sub3A = arith.constant 1 : i32
    %sub3A_18 = arith.subi %div3A, %sub3A : i32
    %select_n3A = arith.select %and3A, %sub3A_18, %div3A : i32
    %jit3A_19 = arith.constant 16 : i32
    %eq3A = arith.constant 0 : i32
    %eq3A_20 = arith.cmpi eq, %jit3A_19, %eq3A : i32
    %jit3A_21 = arith.constant 1 : i32
    %select_n3A_22 = arith.select %eq3A_20, %jit3A_21, %jit3A_19 : i32
    %rem3A_23 = arith.remsi %add3A_2, %select_n3A_22 : i32
    %ne3A_24 = arith.constant 0 : i32
    %ne3A_25 = arith.cmpi ne, %rem3A_23, %ne3A_24 : i32
    %lt3A = arith.constant 0 : i32
    %lt3A_26 = arith.cmpi slt, %rem3A_23, %lt3A : i32
    %lt3A_27 = arith.constant 0 : i32
    %lt3A_28 = arith.cmpi slt, %select_n3A_22, %lt3A_27 : i32
    %ne3A_29 = arith.xori %lt3A_26, %lt3A_28 : i1
    %and3A_30 = arith.andi %ne3A_29, %ne3A_25 : i1
    %add3A_31 = arith.addi %rem3A_23, %select_n3A_22 : i32
    %select_n3A_32 = arith.select %and3A_30, %add3A_31, %rem3A_23 : i32
    %mul3A_33 = arith.constant 16384 : i32
    %mul3A_34 = arith.muli %select_n3A, %mul3A_33 : i32
    %mul3A_35 = arith.constant 1024 : i32
    %mul3A_36 = arith.muli %select_n3A_32, %mul3A_35 : i32
    %add3A_37 = arith.addi %mul3A_34, %mul3A_36 : i32
    "tpu.region"() ({
      %run_scoped3A_129 = tpu.sem_alloc : memref<!tpu.dma_semaphore, #tpu.memory_space<semaphore_mem>>
      %dma_start3A_130 = tpu.memref_slice %arg3[%add3A_37] : memref<819200xi32, #tpu.memory_space<hbm>> -> memref<1024xi32, #tpu.memory_space<hbm>>
      %dma_start3A_131 = tpu.memref_slice %arg3[%add3A_37] : memref<819200xi32, #tpu.memory_space<hbm>> -> memref<1024xi32, #tpu.memory_space<hbm>>
      tpu.enqueue_dma source(%dma_start3A_131 : memref<1024xi32, #tpu.memory_space<hbm>>) target(%arg5 : memref<1024xi32, #tpu.memory_space<vmem>>) target_semaphore(%run_scoped3A_129 : memref<!tpu.dma_semaphore, #tpu.memory_space<semaphore_mem>>)
      %dma_wait3A_132 = tpu.memref_slice %arg3[%add3A_37] : memref<819200xi32, #tpu.memory_space<hbm>> -> memref<1024xi32, #tpu.memory_space<hbm>>
      %dma_wait3A_133 = tpu.memref_slice %arg3[%add3A_37] : memref<819200xi32, #tpu.memory_space<hbm>> -> memref<1024xi32, #tpu.memory_space<hbm>>
      tpu.wait_dma2 semaphore(%run_scoped3A_129 : memref<!tpu.dma_semaphore, #tpu.memory_space<semaphore_mem>>) src(%dma_wait3A_133 : memref<1024xi32, #tpu.memory_space<hbm>>) dst(%arg5 : memref<1024xi32, #tpu.memory_space<vmem>>)
      tpu.yield
    }) : () -> ()
    %dma_start3A = arith.constant 0 : i32
    %dma_start3A_38 = arith.constant 0 : i32
    %dma_start3A_39 = tpu.memref_slice %arg2[%dma_start3A, %dma_start3A_38] : memref<1000000x32xf32, #tpu.memory_space<hbm>> -> memref<1000000x32xf32, #tpu.memory_space<hbm>>
    tpu.enqueue_indirect_dma source(%dma_start3A_39 : memref<1000000x32xf32, #tpu.memory_space<hbm>>) target(%arg7 : memref<1024x32xf32, #tpu.memory_space<vmem>>) offsets(%arg5 : memref<1024xi32, #tpu.memory_space<vmem>>) semaphore(%arg10 : memref<!tpu.dma_semaphore, #tpu.memory_space<semaphore_mem>>)
    %scan3A = arith.constant 0 : i32
    %scan3A_40 = arith.constant 0 : i32
    %scan3A_41 = arith.constant 12 : i32
    %scan3A_42 = arith.addi %scan3A_40, %scan3A_41 : i32
    %scan3A_43 = arith.constant 1 : i32
    scf.for %scan3A_129 = %scan3A_40 to %scan3A_42 step %scan3A_43  : i32 {
      %mul3A_130 = arith.constant 2 : i32
      %mul3A_131 = arith.muli %mul3A_130, %scan3A_129 : i32
      %add3A_132 = arith.constant 1 : i32
      %add3A_133 = arith.addi %mul3A_131, %add3A_132 : i32
      %mul3A_134 = arith.constant 32 : i32
      %mul3A_135 = arith.muli %mul3A_134, %add3A_133 : i32
      %add3A_136 = arith.addi %add3A, %mul3A_135 : i32
      %jit3A_137 = arith.constant 16 : i32
      %div3A_138 = arith.divsi %add3A_136, %jit3A_137 : i32
      %sign3A_139 = arith.constant 0 : i32
      %sign3A_140 = arith.cmpi sgt, %add3A_136, %sign3A_139 : i32
      %sign3A_141 = arith.extui %sign3A_140 : i1 to i32
      %sign3A_142 = arith.constant 0 : i32
      %sign3A_143 = arith.cmpi slt, %add3A_136, %sign3A_142 : i32
      %sign3A_144 = arith.extui %sign3A_143 : i1 to i32
      %sign3A_145 = arith.subi %sign3A_141, %sign3A_144 : i32
      %sign3A_146 = arith.constant 0 : i32
      %sign3A_147 = arith.cmpi sgt, %jit3A_137, %sign3A_146 : i32
      %sign3A_148 = arith.extui %sign3A_147 : i1 to i32
      %sign3A_149 = arith.constant 0 : i32
      %sign3A_150 = arith.cmpi slt, %jit3A_137, %sign3A_149 : i32
      %sign3A_151 = arith.extui %sign3A_150 : i1 to i32
      %sign3A_152 = arith.subi %sign3A_148, %sign3A_151 : i32
      %ne3A_153 = arith.cmpi ne, %sign3A_145, %sign3A_152 : i32
      %rem3A_154 = arith.remsi %add3A_136, %jit3A_137 : i32
      %ne3A_155 = arith.constant 0 : i32
      %ne3A_156 = arith.cmpi ne, %rem3A_154, %ne3A_155 : i32
      %and3A_157 = arith.andi %ne3A_153, %ne3A_156 : i1
      %sub3A_158 = arith.constant 1 : i32
      %sub3A_159 = arith.subi %div3A_138, %sub3A_158 : i32
      %select_n3A_160 = arith.select %and3A_157, %sub3A_159, %div3A_138 : i32
      %jit3A_161 = arith.constant 16 : i32
      %eq3A_162 = arith.constant 0 : i32
      %eq3A_163 = arith.cmpi eq, %jit3A_161, %eq3A_162 : i32
      %jit3A_164 = arith.constant 1 : i32
      %select_n3A_165 = arith.select %eq3A_163, %jit3A_164, %jit3A_161 : i32
      %rem3A_166 = arith.remsi %add3A_136, %select_n3A_165 : i32
      %ne3A_167 = arith.constant 0 : i32
      %ne3A_168 = arith.cmpi ne, %rem3A_166, %ne3A_167 : i32
      %lt3A_169 = arith.constant 0 : i32
      %lt3A_170 = arith.cmpi slt, %rem3A_166, %lt3A_169 : i32
      %lt3A_171 = arith.constant 0 : i32
      %lt3A_172 = arith.cmpi slt, %select_n3A_165, %lt3A_171 : i32
      %ne3A_173 = arith.xori %lt3A_170, %lt3A_172 : i1
      %and3A_174 = arith.andi %ne3A_173, %ne3A_168 : i1
      %add3A_175 = arith.addi %rem3A_166, %select_n3A_165 : i32
      %select_n3A_176 = arith.select %and3A_174, %add3A_175, %rem3A_166 : i32
      %mul3A_177 = arith.constant 16384 : i32
      %mul3A_178 = arith.muli %select_n3A_160, %mul3A_177 : i32
      %mul3A_179 = arith.constant 1024 : i32
      %mul3A_180 = arith.muli %select_n3A_176, %mul3A_179 : i32
      %add3A_181 = arith.addi %mul3A_178, %mul3A_180 : i32
      "tpu.region"() ({
        %run_scoped3A_424 = tpu.sem_alloc : memref<!tpu.dma_semaphore, #tpu.memory_space<semaphore_mem>>
        %dma_start3A_425 = tpu.memref_slice %arg3[%add3A_181] : memref<819200xi32, #tpu.memory_space<hbm>> -> memref<1024xi32, #tpu.memory_space<hbm>>
        %dma_start3A_426 = tpu.memref_slice %arg3[%add3A_181] : memref<819200xi32, #tpu.memory_space<hbm>> -> memref<1024xi32, #tpu.memory_space<hbm>>
        tpu.enqueue_dma source(%dma_start3A_426 : memref<1024xi32, #tpu.memory_space<hbm>>) target(%arg6 : memref<1024xi32, #tpu.memory_space<vmem>>) target_semaphore(%run_scoped3A_424 : memref<!tpu.dma_semaphore, #tpu.memory_space<semaphore_mem>>)
        %dma_wait3A_427 = tpu.memref_slice %arg3[%add3A_181] : memref<819200xi32, #tpu.memory_space<hbm>> -> memref<1024xi32, #tpu.memory_space<hbm>>
        %dma_wait3A_428 = tpu.memref_slice %arg3[%add3A_181] : memref<819200xi32, #tpu.memory_space<hbm>> -> memref<1024xi32, #tpu.memory_space<hbm>>
        tpu.wait_dma2 semaphore(%run_scoped3A_424 : memref<!tpu.dma_semaphore, #tpu.memory_space<semaphore_mem>>) src(%dma_wait3A_428 : memref<1024xi32, #tpu.memory_space<hbm>>) dst(%arg6 : memref<1024xi32, #tpu.memory_space<vmem>>)
        tpu.yield
      }) : () -> ()
      %dma_start3A_182 = arith.constant 0 : i32
      %dma_start3A_183 = arith.constant 0 : i32
      %dma_start3A_184 = tpu.memref_slice %arg2[%dma_start3A_182, %dma_start3A_183] : memref<1000000x32xf32, #tpu.memory_space<hbm>> -> memref<1000000x32xf32, #tpu.memory_space<hbm>>
      tpu.enqueue_indirect_dma source(%dma_start3A_184 : memref<1000000x32xf32, #tpu.memory_space<hbm>>) target(%arg8 : memref<1024x32xf32, #tpu.memory_space<vmem>>) offsets(%arg6 : memref<1024xi32, #tpu.memory_space<vmem>>) semaphore(%arg11 : memref<!tpu.dma_semaphore, #tpu.memory_space<semaphore_mem>>)
      %mul3A_185 = arith.constant 2 : i32
      %mul3A_186 = arith.muli %mul3A_185, %scan3A_129 : i32
      %mul3A_187 = arith.constant 32 : i32
      %mul3A_188 = arith.muli %mul3A_187, %mul3A_186 : i32
      %add3A_189 = arith.addi %add3A, %mul3A_188 : i32
      %jit3A_190 = arith.constant 16 : i32
      %div3A_191 = arith.divsi %add3A_189, %jit3A_190 : i32
      %sign3A_192 = arith.constant 0 : i32
      %sign3A_193 = arith.cmpi sgt, %add3A_189, %sign3A_192 : i32
      %sign3A_194 = arith.extui %sign3A_193 : i1 to i32
      %sign3A_195 = arith.constant 0 : i32
      %sign3A_196 = arith.cmpi slt, %add3A_189, %sign3A_195 : i32
      %sign3A_197 = arith.extui %sign3A_196 : i1 to i32
      %sign3A_198 = arith.subi %sign3A_194, %sign3A_197 : i32
      %sign3A_199 = arith.constant 0 : i32
      %sign3A_200 = arith.cmpi sgt, %jit3A_190, %sign3A_199 : i32
      %sign3A_201 = arith.extui %sign3A_200 : i1 to i32
      %sign3A_202 = arith.constant 0 : i32
      %sign3A_203 = arith.cmpi slt, %jit3A_190, %sign3A_202 : i32
      %sign3A_204 = arith.extui %sign3A_203 : i1 to i32
      %sign3A_205 = arith.subi %sign3A_201, %sign3A_204 : i32
      %ne3A_206 = arith.cmpi ne, %sign3A_198, %sign3A_205 : i32
      %rem3A_207 = arith.remsi %add3A_189, %jit3A_190 : i32
      %ne3A_208 = arith.constant 0 : i32
      %ne3A_209 = arith.cmpi ne, %rem3A_207, %ne3A_208 : i32
      %and3A_210 = arith.andi %ne3A_206, %ne3A_209 : i1
      %sub3A_211 = arith.constant 1 : i32
      %sub3A_212 = arith.subi %div3A_191, %sub3A_211 : i32
      %select_n3A_213 = arith.select %and3A_210, %sub3A_212, %div3A_191 : i32
      %jit3A_214 = arith.constant 16 : i32
      %eq3A_215 = arith.constant 0 : i32
      %eq3A_216 = arith.cmpi eq, %jit3A_214, %eq3A_215 : i32
      %jit3A_217 = arith.constant 1 : i32
      %select_n3A_218 = arith.select %eq3A_216, %jit3A_217, %jit3A_214 : i32
      %rem3A_219 = arith.remsi %add3A_189, %select_n3A_218 : i32
      %ne3A_220 = arith.constant 0 : i32
      %ne3A_221 = arith.cmpi ne, %rem3A_219, %ne3A_220 : i32
      %lt3A_222 = arith.constant 0 : i32
      %lt3A_223 = arith.cmpi slt, %rem3A_219, %lt3A_222 : i32
      %lt3A_224 = arith.constant 0 : i32
      %lt3A_225 = arith.cmpi slt, %select_n3A_218, %lt3A_224 : i32
      %ne3A_226 = arith.xori %lt3A_223, %lt3A_225 : i1
      %and3A_227 = arith.andi %ne3A_226, %ne3A_221 : i1
      %add3A_228 = arith.addi %rem3A_219, %select_n3A_218 : i32
      %select_n3A_229 = arith.select %and3A_227, %add3A_228, %rem3A_219 : i32
      %dma_wait3A_230 = arith.constant 0 : i32
      %dma_wait3A_231 = arith.constant 0 : i32
      %dma_wait3A_232 = tpu.memref_slice %arg2[%dma_wait3A_230, %dma_wait3A_231] : memref<1000000x32xf32, #tpu.memory_space<hbm>> -> memref<1000000x32xf32, #tpu.memory_space<hbm>>
      tpu.wait_indirect_dma semaphore(%arg10 : memref<!tpu.dma_semaphore, #tpu.memory_space<semaphore_mem>>) src(%dma_wait3A_232 : memref<1000000x32xf32, #tpu.memory_space<hbm>>) dst(%arg7 : memref<1024x32xf32, #tpu.memory_space<vmem>>)
      %and3A_233 = arith.constant 7 : i32
      %and3A_234 = vector.broadcast %and3A_233 : i32 to vector<16xi32>
      %and3A_235 = arith.andi %iota3A, %and3A_234 : vector<16xi32>
      %shift_right_arithmetic3A_236 = arith.constant 3 : i32
      %shift_right_arithmetic3A_237 = vector.broadcast %shift_right_arithmetic3A_236 : i32 to vector<16xi32>
      %shift_right_arithmetic3A_238 = arith.shrsi %iota3A, %shift_right_arithmetic3A_237 : vector<16xi32>
      %shift_right_arithmetic3A_239 = arith.constant 3 : i32
      %shift_right_arithmetic3A_240 = vector.broadcast %shift_right_arithmetic3A_239 : i32 to vector<16xi32>
      %shift_right_arithmetic3A_241 = arith.shrsi %iota3A, %shift_right_arithmetic3A_240 : vector<16xi32>
      %add3A_242 = arith.constant 2 : i32
      %add3A_243 = vector.broadcast %add3A_242 : i32 to vector<16xi32>
      %add3A_244 = arith.addi %shift_right_arithmetic3A_241, %add3A_243 : vector<16xi32>
      %parallel_loop3A_245 = arith.constant 0 : i32
      %parallel_loop3A_246 = arith.constant 1024 : i32
      %parallel_loop3A_247 = arith.constant 1 : i32
      scf.for %parallel_loop3A_424 = %parallel_loop3A_245 to %parallel_loop3A_246 step %parallel_loop3A_247  : i32 {
        %parallel_loop3A_425 = arith.constant 7 : i32
        %parallel_loop3A_426 = arith.shrsi %parallel_loop3A_424, %parallel_loop3A_425 : i32
        %parallel_loop3A_427 = arith.constant 3 : i32
        %parallel_loop3A_428 = arith.shli %parallel_loop3A_426, %parallel_loop3A_427 : i32
        %parallel_loop3A_429 = vector.broadcast %parallel_loop3A_428 : i32 to vector<16xi32>
        %parallel_loop3A_430 = arith.addi %and3A_235, %parallel_loop3A_429 : vector<16xi32>
        %parallel_loop3A_431 = arith.constant 0 : i32
        %parallel_loop3A_432 = vector.broadcast %parallel_loop3A_431 : i32 to vector<16xi32>
        %parallel_loop3A_433 = arith.muli %iota3A, %parallel_loop3A_432 : vector<16xi32>
        %parallel_loop3A_434 = arith.constant 127 : i32
        %parallel_loop3A_435 = arith.andi %parallel_loop3A_424, %parallel_loop3A_434 : i32
        %parallel_loop3A_436 = vector.broadcast %parallel_loop3A_435 : i32 to vector<16xi32>
        %parallel_loop3A_437 = arith.addi %parallel_loop3A_433, %parallel_loop3A_436 : vector<16xi32>
        %parallel_loop3A_438 = arith.index_cast %parallel_loop3A_424 : i32 to index
        %parallel_loop3A_439 = arith.constant 0 : index
        %parallel_loop3A_440 = tpu.vector_load %arg7[%parallel_loop3A_438, %parallel_loop3A_439] {strides = array<i32>} : memref<1024x32xf32, #tpu.memory_space<vmem>>, vector<16xf32>,
        tpu.vector_store_idx %arg9[%shift_right_arithmetic3A_238, %parallel_loop3A_430, %parallel_loop3A_437], %parallel_loop3A_440 : memref<4x64x129xf32, #tpu.memory_space<vmem>>[vector<16xi32>, vector<16xi32>, vector<16xi32>], vector<16xf32>,
        %parallel_loop3A_441 = arith.index_cast %parallel_loop3A_424 : i32 to index
        %parallel_loop3A_442 = arith.constant 16 : index
        %parallel_loop3A_443 = tpu.vector_load %arg7[%parallel_loop3A_441, %parallel_loop3A_442] {strides = array<i32>} : memref<1024x32xf32, #tpu.memory_space<vmem>>, vector<16xf32>,
        tpu.vector_store_idx %arg9[%add3A_244, %parallel_loop3A_430, %parallel_loop3A_437], %parallel_loop3A_443 : memref<4x64x129xf32, #tpu.memory_space<vmem>>[vector<16xi32>, vector<16xi32>, vector<16xi32>], vector<16xf32>,
      } {sc.loop_unroll_factor = 4 : i64, sc.parallel_access}
      %mul3A_248 = arith.constant 8 : i32
      %mul3A_249 = arith.muli %select_n3A_229, %mul3A_248 : i32
      %mul3A_250 = arith.constant 8 : i32
      %mul3A_251 = arith.muli %mul3A_249, %mul3A_250 : i32
      %add3A_252 = arith.constant 0 : i32
      %add3A_253 = arith.addi %add3A_252, %mul3A_251 : i32
      %run_scoped3A_254 = arith.constant 0 : i32
      "tpu.region"() ({
        %run_scoped3A_424 = tpu.sem_alloc : memref<!tpu.dma_semaphore, #tpu.memory_space<semaphore_mem>>
        %dma_start3A_425 = arith.constant 0 : i32
        %dma_start3A_426 = arith.constant 0 : i32
        %dma_start3A_427 = tpu.memref_slice %arg9[%run_scoped3A_254, %dma_start3A_425, %dma_start3A_426] : memref<4x64x129xf32, #tpu.memory_space<vmem>> -> memref<1x64x128xf32, #tpu.memory_space<vmem>>
        %dma_start3A_428 = tpu.memref_squeeze %dma_start3A_427 : memref<1x64x128xf32, #tpu.memory_space<vmem>> -> memref<64x128xf32, #tpu.memory_space<vmem>>
        %dma_start3A_429 = arith.constant 0 : i32
        %dma_start3A_430 = tpu.memref_slice %arg4[%select_n3A_213, %add3A_253, %dma_start3A_429] : memref<50x4096x128xf32, #tpu.memory_space<hbm>> -> memref<1x64x128xf32, #tpu.memory_space<hbm>>
        %dma_start3A_431 = tpu.memref_squeeze %dma_start3A_430 : memref<1x64x128xf32, #tpu.memory_space<hbm>> -> memref<64x128xf32, #tpu.memory_space<hbm>>
        %dma_start3A_432 = arith.constant 0 : i32
        %dma_start3A_433 = tpu.memref_slice %arg4[%select_n3A_213, %add3A_253, %dma_start3A_432] : memref<50x4096x128xf32, #tpu.memory_space<hbm>> -> memref<1x64x128xf32, #tpu.memory_space<hbm>>
        %dma_start3A_434 = tpu.memref_squeeze %dma_start3A_433 : memref<1x64x128xf32, #tpu.memory_space<hbm>> -> memref<64x128xf32, #tpu.memory_space<hbm>>
        %dma_start3A_435 = arith.constant 0 : i32
        %dma_start3A_436 = arith.constant 0 : i32
        %dma_start3A_437 = tpu.memref_slice %arg9[%run_scoped3A_254, %dma_start3A_435, %dma_start3A_436] : memref<4x64x129xf32, #tpu.memory_space<vmem>> -> memref<1x64x128xf32, #tpu.memory_space<vmem>>
        %dma_start3A_438 = tpu.memref_squeeze %dma_start3A_437 : memref<1x64x128xf32, #tpu.memory_space<vmem>> -> memref<64x128xf32, #tpu.memory_space<vmem>>
        tpu.enqueue_dma source(%dma_start3A_438 : memref<64x128xf32, #tpu.memory_space<vmem>>) target(%dma_start3A_434 : memref<64x128xf32, #tpu.memory_space<hbm>>) target_semaphore(%run_scoped3A_424 : memref<!tpu.dma_semaphore, #tpu.memory_space<semaphore_mem>>)
        %dma_wait3A_439 = arith.constant 0 : i32
        %dma_wait3A_440 = arith.constant 0 : i32
        %dma_wait3A_441 = tpu.memref_slice %arg9[%run_scoped3A_254, %dma_wait3A_439, %dma_wait3A_440] : memref<4x64x129xf32, #tpu.memory_space<vmem>> -> memref<1x64x128xf32, #tpu.memory_space<vmem>>
        %dma_wait3A_442 = tpu.memref_squeeze %dma_wait3A_441 : memref<1x64x128xf32, #tpu.memory_space<vmem>> -> memref<64x128xf32, #tpu.memory_space<vmem>>
        %dma_wait3A_443 = arith.constant 0 : i32
        %dma_wait3A_444 = tpu.memref_slice %arg4[%select_n3A_213, %add3A_253, %dma_wait3A_443] : memref<50x4096x128xf32, #tpu.memory_space<hbm>> -> memref<1x64x128xf32, #tpu.memory_space<hbm>>
        %dma_wait3A_445 = tpu.memref_squeeze %dma_wait3A_444 : memref<1x64x128xf32, #tpu.memory_space<hbm>> -> memref<64x128xf32, #tpu.memory_space<hbm>>
        %dma_wait3A_446 = arith.constant 0 : i32
        %dma_wait3A_447 = tpu.memref_slice %arg4[%select_n3A_213, %add3A_253, %dma_wait3A_446] : memref<50x4096x128xf32, #tpu.memory_space<hbm>> -> memref<1x64x128xf32, #tpu.memory_space<hbm>>
        %dma_wait3A_448 = tpu.memref_squeeze %dma_wait3A_447 : memref<1x64x128xf32, #tpu.memory_space<hbm>> -> memref<64x128xf32, #tpu.memory_space<hbm>>
        %dma_wait3A_449 = arith.constant 0 : i32
        %dma_wait3A_450 = arith.constant 0 : i32
        %dma_wait3A_451 = tpu.memref_slice %arg9[%run_scoped3A_254, %dma_wait3A_449, %dma_wait3A_450] : memref<4x64x129xf32, #tpu.memory_space<vmem>> -> memref<1x64x128xf32, #tpu.memory_space<vmem>>
        %dma_wait3A_452 = tpu.memref_squeeze %dma_wait3A_451 : memref<1x64x128xf32, #tpu.memory_space<vmem>> -> memref<64x128xf32, #tpu.memory_space<vmem>>
        tpu.wait_dma2 semaphore(%run_scoped3A_424 : memref<!tpu.dma_semaphore, #tpu.memory_space<semaphore_mem>>) src(%dma_wait3A_452 : memref<64x128xf32, #tpu.memory_space<vmem>>) dst(%dma_wait3A_448 : memref<64x128xf32, #tpu.memory_space<hbm>>)
        tpu.yield
      }) : () -> ()
      %mul3A_255 = arith.constant 8 : i32
      %mul3A_256 = arith.muli %select_n3A_229, %mul3A_255 : i32
      %mul3A_257 = arith.constant 8 : i32
      %mul3A_258 = arith.muli %mul3A_256, %mul3A_257 : i32
      %add3A_259 = arith.constant 1024 : i32
      %add3A_260 = arith.addi %add3A_259, %mul3A_258 : i32
      %run_scoped3A_261 = arith.constant 1 : i32
      "tpu.region"() ({
        %run_scoped3A_424 = tpu.sem_alloc : memref<!tpu.dma_semaphore, #tpu.memory_space<semaphore_mem>>
        %dma_start3A_425 = arith.constant 0 : i32
        %dma_start3A_426 = arith.constant 0 : i32
        %dma_start3A_427 = tpu.memref_slice %arg9[%run_scoped3A_261, %dma_start3A_425, %dma_start3A_426] : memref<4x64x129xf32, #tpu.memory_space<vmem>> -> memref<1x64x128xf32, #tpu.memory_space<vmem>>
        %dma_start3A_428 = tpu.memref_squeeze %dma_start3A_427 : memref<1x64x128xf32, #tpu.memory_space<vmem>> -> memref<64x128xf32, #tpu.memory_space<vmem>>
        %dma_start3A_429 = arith.constant 0 : i32
        %dma_start3A_430 = tpu.memref_slice %arg4[%select_n3A_213, %add3A_260, %dma_start3A_429] : memref<50x4096x128xf32, #tpu.memory_space<hbm>> -> memref<1x64x128xf32, #tpu.memory_space<hbm>>
        %dma_start3A_431 = tpu.memref_squeeze %dma_start3A_430 : memref<1x64x128xf32, #tpu.memory_space<hbm>> -> memref<64x128xf32, #tpu.memory_space<hbm>>
        %dma_start3A_432 = arith.constant 0 : i32
        %dma_start3A_433 = tpu.memref_slice %arg4[%select_n3A_213, %add3A_260, %dma_start3A_432] : memref<50x4096x128xf32, #tpu.memory_space<hbm>> -> memref<1x64x128xf32, #tpu.memory_space<hbm>>
        %dma_start3A_434 = tpu.memref_squeeze %dma_start3A_433 : memref<1x64x128xf32, #tpu.memory_space<hbm>> -> memref<64x128xf32, #tpu.memory_space<hbm>>
        %dma_start3A_435 = arith.constant 0 : i32
        %dma_start3A_436 = arith.constant 0 : i32
        %dma_start3A_437 = tpu.memref_slice %arg9[%run_scoped3A_261, %dma_start3A_435, %dma_start3A_436] : memref<4x64x129xf32, #tpu.memory_space<vmem>> -> memref<1x64x128xf32, #tpu.memory_space<vmem>>
        %dma_start3A_438 = tpu.memref_squeeze %dma_start3A_437 : memref<1x64x128xf32, #tpu.memory_space<vmem>> -> memref<64x128xf32, #tpu.memory_space<vmem>>
        tpu.enqueue_dma source(%dma_start3A_438 : memref<64x128xf32, #tpu.memory_space<vmem>>) target(%dma_start3A_434 : memref<64x128xf32, #tpu.memory_space<hbm>>) target_semaphore(%run_scoped3A_424 : memref<!tpu.dma_semaphore, #tpu.memory_space<semaphore_mem>>)
        %dma_wait3A_439 = arith.constant 0 : i32
        %dma_wait3A_440 = arith.constant 0 : i32
        %dma_wait3A_441 = tpu.memref_slice %arg9[%run_scoped3A_261, %dma_wait3A_439, %dma_wait3A_440] : memref<4x64x129xf32, #tpu.memory_space<vmem>> -> memref<1x64x128xf32, #tpu.memory_space<vmem>>
        %dma_wait3A_442 = tpu.memref_squeeze %dma_wait3A_441 : memref<1x64x128xf32, #tpu.memory_space<vmem>> -> memref<64x128xf32, #tpu.memory_space<vmem>>
        %dma_wait3A_443 = arith.constant 0 : i32
        %dma_wait3A_444 = tpu.memref_slice %arg4[%select_n3A_213, %add3A_260, %dma_wait3A_443] : memref<50x4096x128xf32, #tpu.memory_space<hbm>> -> memref<1x64x128xf32, #tpu.memory_space<hbm>>
        %dma_wait3A_445 = tpu.memref_squeeze %dma_wait3A_444 : memref<1x64x128xf32, #tpu.memory_space<hbm>> -> memref<64x128xf32, #tpu.memory_space<hbm>>
        %dma_wait3A_446 = arith.constant 0 : i32
        %dma_wait3A_447 = tpu.memref_slice %arg4[%select_n3A_213, %add3A_260, %dma_wait3A_446] : memref<50x4096x128xf32, #tpu.memory_space<hbm>> -> memref<1x64x128xf32, #tpu.memory_space<hbm>>
        %dma_wait3A_448 = tpu.memref_squeeze %dma_wait3A_447 : memref<1x64x128xf32, #tpu.memory_space<hbm>> -> memref<64x128xf32, #tpu.memory_space<hbm>>
        %dma_wait3A_449 = arith.constant 0 : i32
        %dma_wait3A_450 = arith.constant 0 : i32
        %dma_wait3A_451 = tpu.memref_slice %arg9[%run_scoped3A_261, %dma_wait3A_449, %dma_wait3A_450] : memref<4x64x129xf32, #tpu.memory_space<vmem>> -> memref<1x64x128xf32, #tpu.memory_space<vmem>>
        %dma_wait3A_452 = tpu.memref_squeeze %dma_wait3A_451 : memref<1x64x128xf32, #tpu.memory_space<vmem>> -> memref<64x128xf32, #tpu.memory_space<vmem>>
        tpu.wait_dma2 semaphore(%run_scoped3A_424 : memref<!tpu.dma_semaphore, #tpu.memory_space<semaphore_mem>>) src(%dma_wait3A_452 : memref<64x128xf32, #tpu.memory_space<vmem>>) dst(%dma_wait3A_448 : memref<64x128xf32, #tpu.memory_space<hbm>>)
        tpu.yield
      }) : () -> ()
      %mul3A_262 = arith.constant 8 : i32
      %mul3A_263 = arith.muli %select_n3A_229, %mul3A_262 : i32
      %mul3A_264 = arith.constant 8 : i32
      %mul3A_265 = arith.muli %mul3A_263, %mul3A_264 : i32
      %add3A_266 = arith.constant 2048 : i32
      %add3A_267 = arith.addi %add3A_266, %mul3A_265 : i32
      %run_scoped3A_268 = arith.constant 2 : i32
      "tpu.region"() ({
        %run_scoped3A_424 = tpu.sem_alloc : memref<!tpu.dma_semaphore, #tpu.memory_space<semaphore_mem>>
        %dma_start3A_425 = arith.constant 0 : i32
        %dma_start3A_426 = arith.constant 0 : i32
        %dma_start3A_427 = tpu.memref_slice %arg9[%run_scoped3A_268, %dma_start3A_425, %dma_start3A_426] : memref<4x64x129xf32, #tpu.memory_space<vmem>> -> memref<1x64x128xf32, #tpu.memory_space<vmem>>
        %dma_start3A_428 = tpu.memref_squeeze %dma_start3A_427 : memref<1x64x128xf32, #tpu.memory_space<vmem>> -> memref<64x128xf32, #tpu.memory_space<vmem>>
        %dma_start3A_429 = arith.constant 0 : i32
        %dma_start3A_430 = tpu.memref_slice %arg4[%select_n3A_213, %add3A_267, %dma_start3A_429] : memref<50x4096x128xf32, #tpu.memory_space<hbm>> -> memref<1x64x128xf32, #tpu.memory_space<hbm>>
        %dma_start3A_431 = tpu.memref_squeeze %dma_start3A_430 : memref<1x64x128xf32, #tpu.memory_space<hbm>> -> memref<64x128xf32, #tpu.memory_space<hbm>>
        %dma_start3A_432 = arith.constant 0 : i32
        %dma_start3A_433 = tpu.memref_slice %arg4[%select_n3A_213, %add3A_267, %dma_start3A_432] : memref<50x4096x128xf32, #tpu.memory_space<hbm>> -> memref<1x64x128xf32, #tpu.memory_space<hbm>>
        %dma_start3A_434 = tpu.memref_squeeze %dma_start3A_433 : memref<1x64x128xf32, #tpu.memory_space<hbm>> -> memref<64x128xf32, #tpu.memory_space<hbm>>
        %dma_start3A_435 = arith.constant 0 : i32
        %dma_start3A_436 = arith.constant 0 : i32
        %dma_start3A_437 = tpu.memref_slice %arg9[%run_scoped3A_268, %dma_start3A_435, %dma_start3A_436] : memref<4x64x129xf32, #tpu.memory_space<vmem>> -> memref<1x64x128xf32, #tpu.memory_space<vmem>>
        %dma_start3A_438 = tpu.memref_squeeze %dma_start3A_437 : memref<1x64x128xf32, #tpu.memory_space<vmem>> -> memref<64x128xf32, #tpu.memory_space<vmem>>
        tpu.enqueue_dma source(%dma_start3A_438 : memref<64x128xf32, #tpu.memory_space<vmem>>) target(%dma_start3A_434 : memref<64x128xf32, #tpu.memory_space<hbm>>) target_semaphore(%run_scoped3A_424 : memref<!tpu.dma_semaphore, #tpu.memory_space<semaphore_mem>>)
        %dma_wait3A_439 = arith.constant 0 : i32
        %dma_wait3A_440 = arith.constant 0 : i32
        %dma_wait3A_441 = tpu.memref_slice %arg9[%run_scoped3A_268, %dma_wait3A_439, %dma_wait3A_440] : memref<4x64x129xf32, #tpu.memory_space<vmem>> -> memref<1x64x128xf32, #tpu.memory_space<vmem>>
        %dma_wait3A_442 = tpu.memref_squeeze %dma_wait3A_441 : memref<1x64x128xf32, #tpu.memory_space<vmem>> -> memref<64x128xf32, #tpu.memory_space<vmem>>
        %dma_wait3A_443 = arith.constant 0 : i32
        %dma_wait3A_444 = tpu.memref_slice %arg4[%select_n3A_213, %add3A_267, %dma_wait3A_443] : memref<50x4096x128xf32, #tpu.memory_space<hbm>> -> memref<1x64x128xf32, #tpu.memory_space<hbm>>
        %dma_wait3A_445 = tpu.memref_squeeze %dma_wait3A_444 : memref<1x64x128xf32, #tpu.memory_space<hbm>> -> memref<64x128xf32, #tpu.memory_space<hbm>>
        %dma_wait3A_446 = arith.constant 0 : i32
        %dma_wait3A_447 = tpu.memref_slice %arg4[%select_n3A_213, %add3A_267, %dma_wait3A_446] : memref<50x4096x128xf32, #tpu.memory_space<hbm>> -> memref<1x64x128xf32, #tpu.memory_space<hbm>>
        %dma_wait3A_448 = tpu.memref_squeeze %dma_wait3A_447 : memref<1x64x128xf32, #tpu.memory_space<hbm>> -> memref<64x128xf32, #tpu.memory_space<hbm>>
        %dma_wait3A_449 = arith.constant 0 : i32
        %dma_wait3A_450 = arith.constant 0 : i32
        %dma_wait3A_451 = tpu.memref_slice %arg9[%run_scoped3A_268, %dma_wait3A_449, %dma_wait3A_450] : memref<4x64x129xf32, #tpu.memory_space<vmem>> -> memref<1x64x128xf32, #tpu.memory_space<vmem>>
        %dma_wait3A_452 = tpu.memref_squeeze %dma_wait3A_451 : memref<1x64x128xf32, #tpu.memory_space<vmem>> -> memref<64x128xf32, #tpu.memory_space<vmem>>
        tpu.wait_dma2 semaphore(%run_scoped3A_424 : memref<!tpu.dma_semaphore, #tpu.memory_space<semaphore_mem>>) src(%dma_wait3A_452 : memref<64x128xf32, #tpu.memory_space<vmem>>) dst(%dma_wait3A_448 : memref<64x128xf32, #tpu.memory_space<hbm>>)
        tpu.yield
      }) : () -> ()
      %mul3A_269 = arith.constant 8 : i32
      %mul3A_270 = arith.muli %select_n3A_229, %mul3A_269 : i32
      %mul3A_271 = arith.constant 8 : i32
      %mul3A_272 = arith.muli %mul3A_270, %mul3A_271 : i32
      %add3A_273 = arith.constant 3072 : i32
      %add3A_274 = arith.addi %add3A_273, %mul3A_272 : i32
      %run_scoped3A_275 = arith.constant 3 : i32
      "tpu.region"() ({
        %run_scoped3A_424 = tpu.sem_alloc : memref<!tpu.dma_semaphore, #tpu.memory_space<semaphore_mem>>
        %dma_start3A_425 = arith.constant 0 : i32
        %dma_start3A_426 = arith.constant 0 : i32
        %dma_start3A_427 = tpu.memref_slice %arg9[%run_scoped3A_275, %dma_start3A_425, %dma_start3A_426] : memref<4x64x129xf32, #tpu.memory_space<vmem>> -> memref<1x64x128xf32, #tpu.memory_space<vmem>>
        %dma_start3A_428 = tpu.memref_squeeze %dma_start3A_427 : memref<1x64x128xf32, #tpu.memory_space<vmem>> -> memref<64x128xf32, #tpu.memory_space<vmem>>
        %dma_start3A_429 = arith.constant 0 : i32
        %dma_start3A_430 = tpu.memref_slice %arg4[%select_n3A_213, %add3A_274, %dma_start3A_429] : memref<50x4096x128xf32, #tpu.memory_space<hbm>> -> memref<1x64x128xf32, #tpu.memory_space<hbm>>
        %dma_start3A_431 = tpu.memref_squeeze %dma_start3A_430 : memref<1x64x128xf32, #tpu.memory_space<hbm>> -> memref<64x128xf32, #tpu.memory_space<hbm>>
        %dma_start3A_432 = arith.constant 0 : i32
        %dma_start3A_433 = tpu.memref_slice %arg4[%select_n3A_213, %add3A_274, %dma_start3A_432] : memref<50x4096x128xf32, #tpu.memory_space<hbm>> -> memref<1x64x128xf32, #tpu.memory_space<hbm>>
        %dma_start3A_434 = tpu.memref_squeeze %dma_start3A_433 : memref<1x64x128xf32, #tpu.memory_space<hbm>> -> memref<64x128xf32, #tpu.memory_space<hbm>>
        %dma_start3A_435 = arith.constant 0 : i32
        %dma_start3A_436 = arith.constant 0 : i32
        %dma_start3A_437 = tpu.memref_slice %arg9[%run_scoped3A_275, %dma_start3A_435, %dma_start3A_436] : memref<4x64x129xf32, #tpu.memory_space<vmem>> -> memref<1x64x128xf32, #tpu.memory_space<vmem>>
        %dma_start3A_438 = tpu.memref_squeeze %dma_start3A_437 : memref<1x64x128xf32, #tpu.memory_space<vmem>> -> memref<64x128xf32, #tpu.memory_space<vmem>>
        tpu.enqueue_dma source(%dma_start3A_438 : memref<64x128xf32, #tpu.memory_space<vmem>>) target(%dma_start3A_434 : memref<64x128xf32, #tpu.memory_space<hbm>>) target_semaphore(%run_scoped3A_424 : memref<!tpu.dma_semaphore, #tpu.memory_space<semaphore_mem>>)
        %dma_wait3A_439 = arith.constant 0 : i32
        %dma_wait3A_440 = arith.constant 0 : i32
        %dma_wait3A_441 = tpu.memref_slice %arg9[%run_scoped3A_275, %dma_wait3A_439, %dma_wait3A_440] : memref<4x64x129xf32, #tpu.memory_space<vmem>> -> memref<1x64x128xf32, #tpu.memory_space<vmem>>
        %dma_wait3A_442 = tpu.memref_squeeze %dma_wait3A_441 : memref<1x64x128xf32, #tpu.memory_space<vmem>> -> memref<64x128xf32, #tpu.memory_space<vmem>>
        %dma_wait3A_443 = arith.constant 0 : i32
        %dma_wait3A_444 = tpu.memref_slice %arg4[%select_n3A_213, %add3A_274, %dma_wait3A_443] : memref<50x4096x128xf32, #tpu.memory_space<hbm>> -> memref<1x64x128xf32, #tpu.memory_space<hbm>>
        %dma_wait3A_445 = tpu.memref_squeeze %dma_wait3A_444 : memref<1x64x128xf32, #tpu.memory_space<hbm>> -> memref<64x128xf32, #tpu.memory_space<hbm>>
        %dma_wait3A_446 = arith.constant 0 : i32
        %dma_wait3A_447 = tpu.memref_slice %arg4[%select_n3A_213, %add3A_274, %dma_wait3A_446] : memref<50x4096x128xf32, #tpu.memory_space<hbm>> -> memref<1x64x128xf32, #tpu.memory_space<hbm>>
        %dma_wait3A_448 = tpu.memref_squeeze %dma_wait3A_447 : memref<1x64x128xf32, #tpu.memory_space<hbm>> -> memref<64x128xf32, #tpu.memory_space<hbm>>
        %dma_wait3A_449 = arith.constant 0 : i32
        %dma_wait3A_450 = arith.constant 0 : i32
        %dma_wait3A_451 = tpu.memref_slice %arg9[%run_scoped3A_275, %dma_wait3A_449, %dma_wait3A_450] : memref<4x64x129xf32, #tpu.memory_space<vmem>> -> memref<1x64x128xf32, #tpu.memory_space<vmem>>
        %dma_wait3A_452 = tpu.memref_squeeze %dma_wait3A_451 : memref<1x64x128xf32, #tpu.memory_space<vmem>> -> memref<64x128xf32, #tpu.memory_space<vmem>>
        tpu.wait_dma2 semaphore(%run_scoped3A_424 : memref<!tpu.dma_semaphore, #tpu.memory_space<semaphore_mem>>) src(%dma_wait3A_452 : memref<64x128xf32, #tpu.memory_space<vmem>>) dst(%dma_wait3A_448 : memref<64x128xf32, #tpu.memory_space<hbm>>)
        tpu.yield
      }) : () -> ()
      %mul3A_276 = arith.constant 2 : i32
      %mul3A_277 = arith.muli %mul3A_276, %scan3A_129 : i32
      %add3A_278 = arith.constant 2 : i32
      %add3A_279 = arith.addi %mul3A_277, %add3A_278 : i32
      %mul3A_280 = arith.constant 32 : i32
      %mul3A_281 = arith.muli %mul3A_280, %add3A_279 : i32
      %add3A_282 = arith.addi %add3A, %mul3A_281 : i32
      %jit3A_283 = arith.constant 16 : i32
      %div3A_284 = arith.divsi %add3A_282, %jit3A_283 : i32
      %sign3A_285 = arith.constant 0 : i32
      %sign3A_286 = arith.cmpi sgt, %add3A_282, %sign3A_285 : i32
      %sign3A_287 = arith.extui %sign3A_286 : i1 to i32
      %sign3A_288 = arith.constant 0 : i32
      %sign3A_289 = arith.cmpi slt, %add3A_282, %sign3A_288 : i32
      %sign3A_290 = arith.extui %sign3A_289 : i1 to i32
      %sign3A_291 = arith.subi %sign3A_287, %sign3A_290 : i32
      %sign3A_292 = arith.constant 0 : i32
      %sign3A_293 = arith.cmpi sgt, %jit3A_283, %sign3A_292 : i32
      %sign3A_294 = arith.extui %sign3A_293 : i1 to i32
      %sign3A_295 = arith.constant 0 : i32
      %sign3A_296 = arith.cmpi slt, %jit3A_283, %sign3A_295 : i32
      %sign3A_297 = arith.extui %sign3A_296 : i1 to i32
      %sign3A_298 = arith.subi %sign3A_294, %sign3A_297 : i32
      %ne3A_299 = arith.cmpi ne, %sign3A_291, %sign3A_298 : i32
      %rem3A_300 = arith.remsi %add3A_282, %jit3A_283 : i32
      %ne3A_301 = arith.constant 0 : i32
      %ne3A_302 = arith.cmpi ne, %rem3A_300, %ne3A_301 : i32
      %and3A_303 = arith.andi %ne3A_299, %ne3A_302 : i1
      %sub3A_304 = arith.constant 1 : i32
      %sub3A_305 = arith.subi %div3A_284, %sub3A_304 : i32
      %select_n3A_306 = arith.select %and3A_303, %sub3A_305, %div3A_284 : i32
      %jit3A_307 = arith.constant 16 : i32
      %eq3A_308 = arith.constant 0 : i32
      %eq3A_309 = arith.cmpi eq, %jit3A_307, %eq3A_308 : i32
      %jit3A_310 = arith.constant 1 : i32
      %select_n3A_311 = arith.select %eq3A_309, %jit3A_310, %jit3A_307 : i32
      %rem3A_312 = arith.remsi %add3A_282, %select_n3A_311 : i32
      %ne3A_313 = arith.constant 0 : i32
      %ne3A_314 = arith.cmpi ne, %rem3A_312, %ne3A_313 : i32
      %lt3A_315 = arith.constant 0 : i32
      %lt3A_316 = arith.cmpi slt, %rem3A_312, %lt3A_315 : i32
      %lt3A_317 = arith.constant 0 : i32
      %lt3A_318 = arith.cmpi slt, %select_n3A_311, %lt3A_317 : i32
      %ne3A_319 = arith.xori %lt3A_316, %lt3A_318 : i1
      %and3A_320 = arith.andi %ne3A_319, %ne3A_314 : i1
      %add3A_321 = arith.addi %rem3A_312, %select_n3A_311 : i32
      %select_n3A_322 = arith.select %and3A_320, %add3A_321, %rem3A_312 : i32
      %mul3A_323 = arith.constant 16384 : i32
      %mul3A_324 = arith.muli %select_n3A_306, %mul3A_323 : i32
      %mul3A_325 = arith.constant 1024 : i32
      %mul3A_326 = arith.muli %select_n3A_322, %mul3A_325 : i32
      %add3A_327 = arith.addi %mul3A_324, %mul3A_326 : i32
      "tpu.region"() ({
        %run_scoped3A_424 = tpu.sem_alloc : memref<!tpu.dma_semaphore, #tpu.memory_space<semaphore_mem>>
        %dma_start3A_425 = tpu.memref_slice %arg3[%add3A_327] : memref<819200xi32, #tpu.memory_space<hbm>> -> memref<1024xi32, #tpu.memory_space<hbm>>
        %dma_start3A_426 = tpu.memref_slice %arg3[%add3A_327] : memref<819200xi32, #tpu.memory_space<hbm>> -> memref<1024xi32, #tpu.memory_space<hbm>>
        tpu.enqueue_dma source(%dma_start3A_426 : memref<1024xi32, #tpu.memory_space<hbm>>) target(%arg5 : memref<1024xi32, #tpu.memory_space<vmem>>) target_semaphore(%run_scoped3A_424 : memref<!tpu.dma_semaphore, #tpu.memory_space<semaphore_mem>>)
        %dma_wait3A_427 = tpu.memref_slice %arg3[%add3A_327] : memref<819200xi32, #tpu.memory_space<hbm>> -> memref<1024xi32, #tpu.memory_space<hbm>>
        %dma_wait3A_428 = tpu.memref_slice %arg3[%add3A_327] : memref<819200xi32, #tpu.memory_space<hbm>> -> memref<1024xi32, #tpu.memory_space<hbm>>
        tpu.wait_dma2 semaphore(%run_scoped3A_424 : memref<!tpu.dma_semaphore, #tpu.memory_space<semaphore_mem>>) src(%dma_wait3A_428 : memref<1024xi32, #tpu.memory_space<hbm>>) dst(%arg5 : memref<1024xi32, #tpu.memory_space<vmem>>)
        tpu.yield
      }) : () -> ()
      %dma_start3A_328 = arith.constant 0 : i32
      %dma_start3A_329 = arith.constant 0 : i32
      %dma_start3A_330 = tpu.memref_slice %arg2[%dma_start3A_328, %dma_start3A_329] : memref<1000000x32xf32, #tpu.memory_space<hbm>> -> memref<1000000x32xf32, #tpu.memory_space<hbm>>
      tpu.enqueue_indirect_dma source(%dma_start3A_330 : memref<1000000x32xf32, #tpu.memory_space<hbm>>) target(%arg7 : memref<1024x32xf32, #tpu.memory_space<vmem>>) offsets(%arg5 : memref<1024xi32, #tpu.memory_space<vmem>>) semaphore(%arg10 : memref<!tpu.dma_semaphore, #tpu.memory_space<semaphore_mem>>)
      %mul3A_331 = arith.constant 2 : i32
      %mul3A_332 = arith.muli %mul3A_331, %scan3A_129 : i32
      %add3A_333 = arith.constant 1 : i32
      %add3A_334 = arith.addi %mul3A_332, %add3A_333 : i32
      %mul3A_335 = arith.constant 32 : i32
      %mul3A_336 = arith.muli %mul3A_335, %add3A_334 : i32
      %add3A_337 = arith.addi %add3A, %mul3A_336 : i32
      %jit3A_338 = arith.constant 16 : i32
      %div3A_339 = arith.divsi %add3A_337, %jit3A_338 : i32
      %sign3A_340 = arith.constant 0 : i32
      %sign3A_341 = arith.cmpi sgt, %add3A_337, %sign3A_340 : i32
      %sign3A_342 = arith.extui %sign3A_341 : i1 to i32
      %sign3A_343 = arith.constant 0 : i32
      %sign3A_344 = arith.cmpi slt, %add3A_337, %sign3A_343 : i32
      %sign3A_345 = arith.extui %sign3A_344 : i1 to i32
      %sign3A_346 = arith.subi %sign3A_342, %sign3A_345 : i32
      %sign3A_347 = arith.constant 0 : i32
      %sign3A_348 = arith.cmpi sgt, %jit3A_338, %sign3A_347 : i32
      %sign3A_349 = arith.extui %sign3A_348 : i1 to i32
      %sign3A_350 = arith.constant 0 : i32
      %sign3A_351 = arith.cmpi slt, %jit3A_338, %sign3A_350 : i32
      %sign3A_352 = arith.extui %sign3A_351 : i1 to i32
      %sign3A_353 = arith.subi %sign3A_349, %sign3A_352 : i32
      %ne3A_354 = arith.cmpi ne, %sign3A_346, %sign3A_353 : i32
      %rem3A_355 = arith.remsi %add3A_337, %jit3A_338 : i32
      %ne3A_356 = arith.constant 0 : i32
      %ne3A_357 = arith.cmpi ne, %rem3A_355, %ne3A_356 : i32
      %and3A_358 = arith.andi %ne3A_354, %ne3A_357 : i1
      %sub3A_359 = arith.constant 1 : i32
      %sub3A_360 = arith.subi %div3A_339, %sub3A_359 : i32
      %select_n3A_361 = arith.select %and3A_358, %sub3A_360, %div3A_339 : i32
      %jit3A_362 = arith.constant 16 : i32
      %eq3A_363 = arith.constant 0 : i32
      %eq3A_364 = arith.cmpi eq, %jit3A_362, %eq3A_363 : i32
      %jit3A_365 = arith.constant 1 : i32
      %select_n3A_366 = arith.select %eq3A_364, %jit3A_365, %jit3A_362 : i32
      %rem3A_367 = arith.remsi %add3A_337, %select_n3A_366 : i32
      %ne3A_368 = arith.constant 0 : i32
      %ne3A_369 = arith.cmpi ne, %rem3A_367, %ne3A_368 : i32
      %lt3A_370 = arith.constant 0 : i32
      %lt3A_371 = arith.cmpi slt, %rem3A_367, %lt3A_370 : i32
      %lt3A_372 = arith.constant 0 : i32
      %lt3A_373 = arith.cmpi slt, %select_n3A_366, %lt3A_372 : i32
      %ne3A_374 = arith.xori %lt3A_371, %lt3A_373 : i1
      %and3A_375 = arith.andi %ne3A_374, %ne3A_369 : i1
      %add3A_376 = arith.addi %rem3A_367, %select_n3A_366 : i32
      %select_n3A_377 = arith.select %and3A_375, %add3A_376, %rem3A_367 : i32
      %dma_wait3A_378 = arith.constant 0 : i32
      %dma_wait3A_379 = arith.constant 0 : i32
      %dma_wait3A_380 = tpu.memref_slice %arg2[%dma_wait3A_378, %dma_wait3A_379] : memref<1000000x32xf32, #tpu.memory_space<hbm>> -> memref<1000000x32xf32, #tpu.memory_space<hbm>>
      tpu.wait_indirect_dma semaphore(%arg11 : memref<!tpu.dma_semaphore, #tpu.memory_space<semaphore_mem>>) src(%dma_wait3A_380 : memref<1000000x32xf32, #tpu.memory_space<hbm>>) dst(%arg8 : memref<1024x32xf32, #tpu.memory_space<vmem>>)
      %and3A_381 = arith.constant 7 : i32
      %and3A_382 = vector.broadcast %and3A_381 : i32 to vector<16xi32>
      %and3A_383 = arith.andi %iota3A, %and3A_382 : vector<16xi32>
      %shift_right_arithmetic3A_384 = arith.constant 3 : i32
      %shift_right_arithmetic3A_385 = vector.broadcast %shift_right_arithmetic3A_384 : i32 to vector<16xi32>
      %shift_right_arithmetic3A_386 = arith.shrsi %iota3A, %shift_right_arithmetic3A_385 : vector<16xi32>
      %shift_right_arithmetic3A_387 = arith.constant 3 : i32
      %shift_right_arithmetic3A_388 = vector.broadcast %shift_right_arithmetic3A_387 : i32 to vector<16xi32>
      %shift_right_arithmetic3A_389 = arith.shrsi %iota3A, %shift_right_arithmetic3A_388 : vector<16xi32>
      %add3A_390 = arith.constant 2 : i32
      %add3A_391 = vector.broadcast %add3A_390 : i32 to vector<16xi32>
      %add3A_392 = arith.addi %shift_right_arithmetic3A_389, %add3A_391 : vector<16xi32>
      %parallel_loop3A_393 = arith.constant 0 : i32
      %parallel_loop3A_394 = arith.constant 1024 : i32
      %parallel_loop3A_395 = arith.constant 1 : i32
      scf.for %parallel_loop3A_424 = %parallel_loop3A_393 to %parallel_loop3A_394 step %parallel_loop3A_395  : i32 {
        %parallel_loop3A_425 = arith.constant 7 : i32
        %parallel_loop3A_426 = arith.shrsi %parallel_loop3A_424, %parallel_loop3A_425 : i32
        %parallel_loop3A_427 = arith.constant 3 : i32
        %parallel_loop3A_428 = arith.shli %parallel_loop3A_426, %parallel_loop3A_427 : i32
        %parallel_loop3A_429 = vector.broadcast %parallel_loop3A_428 : i32 to vector<16xi32>
        %parallel_loop3A_430 = arith.addi %and3A_383, %parallel_loop3A_429 : vector<16xi32>
        %parallel_loop3A_431 = arith.constant 0 : i32
        %parallel_loop3A_432 = vector.broadcast %parallel_loop3A_431 : i32 to vector<16xi32>
        %parallel_loop3A_433 = arith.muli %iota3A, %parallel_loop3A_432 : vector<16xi32>
        %parallel_loop3A_434 = arith.constant 127 : i32
        %parallel_loop3A_435 = arith.andi %parallel_loop3A_424, %parallel_loop3A_434 : i32
        %parallel_loop3A_436 = vector.broadcast %parallel_loop3A_435 : i32 to vector<16xi32>
        %parallel_loop3A_437 = arith.addi %parallel_loop3A_433, %parallel_loop3A_436 : vector<16xi32>
        %parallel_loop3A_438 = arith.index_cast %parallel_loop3A_424 : i32 to index
        %parallel_loop3A_439 = arith.constant 0 : index
        %parallel_loop3A_440 = tpu.vector_load %arg8[%parallel_loop3A_438, %parallel_loop3A_439] {strides = array<i32>} : memref<1024x32xf32, #tpu.memory_space<vmem>>, vector<16xf32>,
        tpu.vector_store_idx %arg9[%shift_right_arithmetic3A_386, %parallel_loop3A_430, %parallel_loop3A_437], %parallel_loop3A_440 : memref<4x64x129xf32, #tpu.memory_space<vmem>>[vector<16xi32>, vector<16xi32>, vector<16xi32>], vector<16xf32>,
        %parallel_loop3A_441 = arith.index_cast %parallel_loop3A_424 : i32 to index
        %parallel_loop3A_442 = arith.constant 16 : index
        %parallel_loop3A_443 = tpu.vector_load %arg8[%parallel_loop3A_441, %parallel_loop3A_442] {strides = array<i32>} : memref<1024x32xf32, #tpu.memory_space<vmem>>, vector<16xf32>,
        tpu.vector_store_idx %arg9[%add3A_392, %parallel_loop3A_430, %parallel_loop3A_437], %parallel_loop3A_443 : memref<4x64x129xf32, #tpu.memory_space<vmem>>[vector<16xi32>, vector<16xi32>, vector<16xi32>], vector<16xf32>,
      } {sc.loop_unroll_factor = 4 : i64, sc.parallel_access}
      %mul3A_396 = arith.constant 8 : i32
      %mul3A_397 = arith.muli %select_n3A_377, %mul3A_396 : i32
      %mul3A_398 = arith.constant 8 : i32
      %mul3A_399 = arith.muli %mul3A_397, %mul3A_398 : i32
      %add3A_400 = arith.constant 0 : i32
      %add3A_401 = arith.addi %add3A_400, %mul3A_399 : i32
      %run_scoped3A_402 = arith.constant 0 : i32
      "tpu.region"() ({
        %run_scoped3A_424 = tpu.sem_alloc : memref<!tpu.dma_semaphore, #tpu.memory_space<semaphore_mem>>
        %dma_start3A_425 = arith.constant 0 : i32
        %dma_start3A_426 = arith.constant 0 : i32
        %dma_start3A_427 = tpu.memref_slice %arg9[%run_scoped3A_402, %dma_start3A_425, %dma_start3A_426] : memref<4x64x129xf32, #tpu.memory_space<vmem>> -> memref<1x64x128xf32, #tpu.memory_space<vmem>>
        %dma_start3A_428 = tpu.memref_squeeze %dma_start3A_427 : memref<1x64x128xf32, #tpu.memory_space<vmem>> -> memref<64x128xf32, #tpu.memory_space<vmem>>
        %dma_start3A_429 = arith.constant 0 : i32
        %dma_start3A_430 = tpu.memref_slice %arg4[%select_n3A_361, %add3A_401, %dma_start3A_429] : memref<50x4096x128xf32, #tpu.memory_space<hbm>> -> memref<1x64x128xf32, #tpu.memory_space<hbm>>
        %dma_start3A_431 = tpu.memref_squeeze %dma_start3A_430 : memref<1x64x128xf32, #tpu.memory_space<hbm>> -> memref<64x128xf32, #tpu.memory_space<hbm>>
        %dma_start3A_432 = arith.constant 0 : i32
        %dma_start3A_433 = tpu.memref_slice %arg4[%select_n3A_361, %add3A_401, %dma_start3A_432] : memref<50x4096x128xf32, #tpu.memory_space<hbm>> -> memref<1x64x128xf32, #tpu.memory_space<hbm>>
        %dma_start3A_434 = tpu.memref_squeeze %dma_start3A_433 : memref<1x64x128xf32, #tpu.memory_space<hbm>> -> memref<64x128xf32, #tpu.memory_space<hbm>>
        %dma_start3A_435 = arith.constant 0 : i32
        %dma_start3A_436 = arith.constant 0 : i32
        %dma_start3A_437 = tpu.memref_slice %arg9[%run_scoped3A_402, %dma_start3A_435, %dma_start3A_436] : memref<4x64x129xf32, #tpu.memory_space<vmem>> -> memref<1x64x128xf32, #tpu.memory_space<vmem>>
        %dma_start3A_438 = tpu.memref_squeeze %dma_start3A_437 : memref<1x64x128xf32, #tpu.memory_space<vmem>> -> memref<64x128xf32, #tpu.memory_space<vmem>>
        tpu.enqueue_dma source(%dma_start3A_438 : memref<64x128xf32, #tpu.memory_space<vmem>>) target(%dma_start3A_434 : memref<64x128xf32, #tpu.memory_space<hbm>>) target_semaphore(%run_scoped3A_424 : memref<!tpu.dma_semaphore, #tpu.memory_space<semaphore_mem>>)
        %dma_wait3A_439 = arith.constant 0 : i32
        %dma_wait3A_440 = arith.constant 0 : i32
        %dma_wait3A_441 = tpu.memref_slice %arg9[%run_scoped3A_402, %dma_wait3A_439, %dma_wait3A_440] : memref<4x64x129xf32, #tpu.memory_space<vmem>> -> memref<1x64x128xf32, #tpu.memory_space<vmem>>
        %dma_wait3A_442 = tpu.memref_squeeze %dma_wait3A_441 : memref<1x64x128xf32, #tpu.memory_space<vmem>> -> memref<64x128xf32, #tpu.memory_space<vmem>>
        %dma_wait3A_443 = arith.constant 0 : i32
        %dma_wait3A_444 = tpu.memref_slice %arg4[%select_n3A_361, %add3A_401, %dma_wait3A_443] : memref<50x4096x128xf32, #tpu.memory_space<hbm>> -> memref<1x64x128xf32, #tpu.memory_space<hbm>>
        %dma_wait3A_445 = tpu.memref_squeeze %dma_wait3A_444 : memref<1x64x128xf32, #tpu.memory_space<hbm>> -> memref<64x128xf32, #tpu.memory_space<hbm>>
        %dma_wait3A_446 = arith.constant 0 : i32
        %dma_wait3A_447 = tpu.memref_slice %arg4[%select_n3A_361, %add3A_401, %dma_wait3A_446] : memref<50x4096x128xf32, #tpu.memory_space<hbm>> -> memref<1x64x128xf32, #tpu.memory_space<hbm>>
        %dma_wait3A_448 = tpu.memref_squeeze %dma_wait3A_447 : memref<1x64x128xf32, #tpu.memory_space<hbm>> -> memref<64x128xf32, #tpu.memory_space<hbm>>
        %dma_wait3A_449 = arith.constant 0 : i32
        %dma_wait3A_450 = arith.constant 0 : i32
        %dma_wait3A_451 = tpu.memref_slice %arg9[%run_scoped3A_402, %dma_wait3A_449, %dma_wait3A_450] : memref<4x64x129xf32, #tpu.memory_space<vmem>> -> memref<1x64x128xf32, #tpu.memory_space<vmem>>
        %dma_wait3A_452 = tpu.memref_squeeze %dma_wait3A_451 : memref<1x64x128xf32, #tpu.memory_space<vmem>> -> memref<64x128xf32, #tpu.memory_space<vmem>>
        tpu.wait_dma2 semaphore(%run_scoped3A_424 : memref<!tpu.dma_semaphore, #tpu.memory_space<semaphore_mem>>) src(%dma_wait3A_452 : memref<64x128xf32, #tpu.memory_space<vmem>>) dst(%dma_wait3A_448 : memref<64x128xf32, #tpu.memory_space<hbm>>)
        tpu.yield
      }) : () -> ()
      %mul3A_403 = arith.constant 8 : i32
      %mul3A_404 = arith.muli %select_n3A_377, %mul3A_403 : i32
      %mul3A_405 = arith.constant 8 : i32
      %mul3A_406 = arith.muli %mul3A_404, %mul3A_405 : i32
      %add3A_407 = arith.constant 1024 : i32
      %add3A_408 = arith.addi %add3A_407, %mul3A_406 : i32
      %run_scoped3A_409 = arith.constant 1 : i32
      "tpu.region"() ({
        %run_scoped3A_424 = tpu.sem_alloc : memref<!tpu.dma_semaphore, #tpu.memory_space<semaphore_mem>>
        %dma_start3A_425 = arith.constant 0 : i32
        %dma_start3A_426 = arith.constant 0 : i32
        %dma_start3A_427 = tpu.memref_slice %arg9[%run_scoped3A_409, %dma_start3A_425, %dma_start3A_426] : memref<4x64x129xf32, #tpu.memory_space<vmem>> -> memref<1x64x128xf32, #tpu.memory_space<vmem>>
        %dma_start3A_428 = tpu.memref_squeeze %dma_start3A_427 : memref<1x64x128xf32, #tpu.memory_space<vmem>> -> memref<64x128xf32, #tpu.memory_space<vmem>>
        %dma_start3A_429 = arith.constant 0 : i32
        %dma_start3A_430 = tpu.memref_slice %arg4[%select_n3A_361, %add3A_408, %dma_start3A_429] : memref<50x4096x128xf32, #tpu.memory_space<hbm>> -> memref<1x64x128xf32, #tpu.memory_space<hbm>>
        %dma_start3A_431 = tpu.memref_squeeze %dma_start3A_430 : memref<1x64x128xf32, #tpu.memory_space<hbm>> -> memref<64x128xf32, #tpu.memory_space<hbm>>
        %dma_start3A_432 = arith.constant 0 : i32
        %dma_start3A_433 = tpu.memref_slice %arg4[%select_n3A_361, %add3A_408, %dma_start3A_432] : memref<50x4096x128xf32, #tpu.memory_space<hbm>> -> memref<1x64x128xf32, #tpu.memory_space<hbm>>
        %dma_start3A_434 = tpu.memref_squeeze %dma_start3A_433 : memref<1x64x128xf32, #tpu.memory_space<hbm>> -> memref<64x128xf32, #tpu.memory_space<hbm>>
        %dma_start3A_435 = arith.constant 0 : i32
        %dma_start3A_436 = arith.constant 0 : i32
        %dma_start3A_437 = tpu.memref_slice %arg9[%run_scoped3A_409, %dma_start3A_435, %dma_start3A_436] : memref<4x64x129xf32, #tpu.memory_space<vmem>> -> memref<1x64x128xf32, #tpu.memory_space<vmem>>
        %dma_start3A_438 = tpu.memref_squeeze %dma_start3A_437 : memref<1x64x128xf32, #tpu.memory_space<vmem>> -> memref<64x128xf32, #tpu.memory_space<vmem>>
        tpu.enqueue_dma source(%dma_start3A_438 : memref<64x128xf32, #tpu.memory_space<vmem>>) target(%dma_start3A_434 : memref<64x128xf32, #tpu.memory_space<hbm>>) target_semaphore(%run_scoped3A_424 : memref<!tpu.dma_semaphore, #tpu.memory_space<semaphore_mem>>)
        %dma_wait3A_439 = arith.constant 0 : i32
        %dma_wait3A_440 = arith.constant 0 : i32
        %dma_wait3A_441 = tpu.memref_slice %arg9[%run_scoped3A_409, %dma_wait3A_439, %dma_wait3A_440] : memref<4x64x129xf32, #tpu.memory_space<vmem>> -> memref<1x64x128xf32, #tpu.memory_space<vmem>>
        %dma_wait3A_442 = tpu.memref_squeeze %dma_wait3A_441 : memref<1x64x128xf32, #tpu.memory_space<vmem>> -> memref<64x128xf32, #tpu.memory_space<vmem>>
        %dma_wait3A_443 = arith.constant 0 : i32
        %dma_wait3A_444 = tpu.memref_slice %arg4[%select_n3A_361, %add3A_408, %dma_wait3A_443] : memref<50x4096x128xf32, #tpu.memory_space<hbm>> -> memref<1x64x128xf32, #tpu.memory_space<hbm>>
        %dma_wait3A_445 = tpu.memref_squeeze %dma_wait3A_444 : memref<1x64x128xf32, #tpu.memory_space<hbm>> -> memref<64x128xf32, #tpu.memory_space<hbm>>
        %dma_wait3A_446 = arith.constant 0 : i32
        %dma_wait3A_447 = tpu.memref_slice %arg4[%select_n3A_361, %add3A_408, %dma_wait3A_446] : memref<50x4096x128xf32, #tpu.memory_space<hbm>> -> memref<1x64x128xf32, #tpu.memory_space<hbm>>
        %dma_wait3A_448 = tpu.memref_squeeze %dma_wait3A_447 : memref<1x64x128xf32, #tpu.memory_space<hbm>> -> memref<64x128xf32, #tpu.memory_space<hbm>>
        %dma_wait3A_449 = arith.constant 0 : i32
        %dma_wait3A_450 = arith.constant 0 : i32
        %dma_wait3A_451 = tpu.memref_slice %arg9[%run_scoped3A_409, %dma_wait3A_449, %dma_wait3A_450] : memref<4x64x129xf32, #tpu.memory_space<vmem>> -> memref<1x64x128xf32, #tpu.memory_space<vmem>>
        %dma_wait3A_452 = tpu.memref_squeeze %dma_wait3A_451 : memref<1x64x128xf32, #tpu.memory_space<vmem>> -> memref<64x128xf32, #tpu.memory_space<vmem>>
        tpu.wait_dma2 semaphore(%run_scoped3A_424 : memref<!tpu.dma_semaphore, #tpu.memory_space<semaphore_mem>>) src(%dma_wait3A_452 : memref<64x128xf32, #tpu.memory_space<vmem>>) dst(%dma_wait3A_448 : memref<64x128xf32, #tpu.memory_space<hbm>>)
        tpu.yield
      }) : () -> ()
      %mul3A_410 = arith.constant 8 : i32
      %mul3A_411 = arith.muli %select_n3A_377, %mul3A_410 : i32
      %mul3A_412 = arith.constant 8 : i32
      %mul3A_413 = arith.muli %mul3A_411, %mul3A_412 : i32
      %add3A_414 = arith.constant 2048 : i32
      %add3A_415 = arith.addi %add3A_414, %mul3A_413 : i32
      %run_scoped3A_416 = arith.constant 2 : i32
      "tpu.region"() ({
        %run_scoped3A_424 = tpu.sem_alloc : memref<!tpu.dma_semaphore, #tpu.memory_space<semaphore_mem>>
        %dma_start3A_425 = arith.constant 0 : i32
        %dma_start3A_426 = arith.constant 0 : i32
        %dma_start3A_427 = tpu.memref_slice %arg9[%run_scoped3A_416, %dma_start3A_425, %dma_start3A_426] : memref<4x64x129xf32, #tpu.memory_space<vmem>> -> memref<1x64x128xf32, #tpu.memory_space<vmem>>
        %dma_start3A_428 = tpu.memref_squeeze %dma_start3A_427 : memref<1x64x128xf32, #tpu.memory_space<vmem>> -> memref<64x128xf32, #tpu.memory_space<vmem>>
        %dma_start3A_429 = arith.constant 0 : i32
        %dma_start3A_430 = tpu.memref_slice %arg4[%select_n3A_361, %add3A_415, %dma_start3A_429] : memref<50x4096x128xf32, #tpu.memory_space<hbm>> -> memref<1x64x128xf32, #tpu.memory_space<hbm>>
        %dma_start3A_431 = tpu.memref_squeeze %dma_start3A_430 : memref<1x64x128xf32, #tpu.memory_space<hbm>> -> memref<64x128xf32, #tpu.memory_space<hbm>>
        %dma_start3A_432 = arith.constant 0 : i32
        %dma_start3A_433 = tpu.memref_slice %arg4[%select_n3A_361, %add3A_415, %dma_start3A_432] : memref<50x4096x128xf32, #tpu.memory_space<hbm>> -> memref<1x64x128xf32, #tpu.memory_space<hbm>>
        %dma_start3A_434 = tpu.memref_squeeze %dma_start3A_433 : memref<1x64x128xf32, #tpu.memory_space<hbm>> -> memref<64x128xf32, #tpu.memory_space<hbm>>
        %dma_start3A_435 = arith.constant 0 : i32
        %dma_start3A_436 = arith.constant 0 : i32
        %dma_start3A_437 = tpu.memref_slice %arg9[%run_scoped3A_416, %dma_start3A_435, %dma_start3A_436] : memref<4x64x129xf32, #tpu.memory_space<vmem>> -> memref<1x64x128xf32, #tpu.memory_space<vmem>>
        %dma_start3A_438 = tpu.memref_squeeze %dma_start3A_437 : memref<1x64x128xf32, #tpu.memory_space<vmem>> -> memref<64x128xf32, #tpu.memory_space<vmem>>
        tpu.enqueue_dma source(%dma_start3A_438 : memref<64x128xf32, #tpu.memory_space<vmem>>) target(%dma_start3A_434 : memref<64x128xf32, #tpu.memory_space<hbm>>) target_semaphore(%run_scoped3A_424 : memref<!tpu.dma_semaphore, #tpu.memory_space<semaphore_mem>>)
        %dma_wait3A_439 = arith.constant 0 : i32
        %dma_wait3A_440 = arith.constant 0 : i32
        %dma_wait3A_441 = tpu.memref_slice %arg9[%run_scoped3A_416, %dma_wait3A_439, %dma_wait3A_440] : memref<4x64x129xf32, #tpu.memory_space<vmem>> -> memref<1x64x128xf32, #tpu.memory_space<vmem>>
        %dma_wait3A_442 = tpu.memref_squeeze %dma_wait3A_441 : memref<1x64x128xf32, #tpu.memory_space<vmem>> -> memref<64x128xf32, #tpu.memory_space<vmem>>
        %dma_wait3A_443 = arith.constant 0 : i32
        %dma_wait3A_444 = tpu.memref_slice %arg4[%select_n3A_361, %add3A_415, %dma_wait3A_443] : memref<50x4096x128xf32, #tpu.memory_space<hbm>> -> memref<1x64x128xf32, #tpu.memory_space<hbm>>
        %dma_wait3A_445 = tpu.memref_squeeze %dma_wait3A_444 : memref<1x64x128xf32, #tpu.memory_space<hbm>> -> memref<64x128xf32, #tpu.memory_space<hbm>>
        %dma_wait3A_446 = arith.constant 0 : i32
        %dma_wait3A_447 = tpu.memref_slice %arg4[%select_n3A_361, %add3A_415, %dma_wait3A_446] : memref<50x4096x128xf32, #tpu.memory_space<hbm>> -> memref<1x64x128xf32, #tpu.memory_space<hbm>>
        %dma_wait3A_448 = tpu.memref_squeeze %dma_wait3A_447 : memref<1x64x128xf32, #tpu.memory_space<hbm>> -> memref<64x128xf32, #tpu.memory_space<hbm>>
        %dma_wait3A_449 = arith.constant 0 : i32
        %dma_wait3A_450 = arith.constant 0 : i32
        %dma_wait3A_451 = tpu.memref_slice %arg9[%run_scoped3A_416, %dma_wait3A_449, %dma_wait3A_450] : memref<4x64x129xf32, #tpu.memory_space<vmem>> -> memref<1x64x128xf32, #tpu.memory_space<vmem>>
        %dma_wait3A_452 = tpu.memref_squeeze %dma_wait3A_451 : memref<1x64x128xf32, #tpu.memory_space<vmem>> -> memref<64x128xf32, #tpu.memory_space<vmem>>
        tpu.wait_dma2 semaphore(%run_scoped3A_424 : memref<!tpu.dma_semaphore, #tpu.memory_space<semaphore_mem>>) src(%dma_wait3A_452 : memref<64x128xf32, #tpu.memory_space<vmem>>) dst(%dma_wait3A_448 : memref<64x128xf32, #tpu.memory_space<hbm>>)
        tpu.yield
      }) : () -> ()
      %mul3A_417 = arith.constant 8 : i32
      %mul3A_418 = arith.muli %select_n3A_377, %mul3A_417 : i32
      %mul3A_419 = arith.constant 8 : i32
      %mul3A_420 = arith.muli %mul3A_418, %mul3A_419 : i32
      %add3A_421 = arith.constant 3072 : i32
      %add3A_422 = arith.addi %add3A_421, %mul3A_420 : i32
      %run_scoped3A_423 = arith.constant 3 : i32
      "tpu.region"() ({
        %run_scoped3A_424 = tpu.sem_alloc : memref<!tpu.dma_semaphore, #tpu.memory_space<semaphore_mem>>
        %dma_start3A_425 = arith.constant 0 : i32
        %dma_start3A_426 = arith.constant 0 : i32
        %dma_start3A_427 = tpu.memref_slice %arg9[%run_scoped3A_423, %dma_start3A_425, %dma_start3A_426] : memref<4x64x129xf32, #tpu.memory_space<vmem>> -> memref<1x64x128xf32, #tpu.memory_space<vmem>>
        %dma_start3A_428 = tpu.memref_squeeze %dma_start3A_427 : memref<1x64x128xf32, #tpu.memory_space<vmem>> -> memref<64x128xf32, #tpu.memory_space<vmem>>
        %dma_start3A_429 = arith.constant 0 : i32
        %dma_start3A_430 = tpu.memref_slice %arg4[%select_n3A_361, %add3A_422, %dma_start3A_429] : memref<50x4096x128xf32, #tpu.memory_space<hbm>> -> memref<1x64x128xf32, #tpu.memory_space<hbm>>
        %dma_start3A_431 = tpu.memref_squeeze %dma_start3A_430 : memref<1x64x128xf32, #tpu.memory_space<hbm>> -> memref<64x128xf32, #tpu.memory_space<hbm>>
        %dma_start3A_432 = arith.constant 0 : i32
        %dma_start3A_433 = tpu.memref_slice %arg4[%select_n3A_361, %add3A_422, %dma_start3A_432] : memref<50x4096x128xf32, #tpu.memory_space<hbm>> -> memref<1x64x128xf32, #tpu.memory_space<hbm>>
        %dma_start3A_434 = tpu.memref_squeeze %dma_start3A_433 : memref<1x64x128xf32, #tpu.memory_space<hbm>> -> memref<64x128xf32, #tpu.memory_space<hbm>>
        %dma_start3A_435 = arith.constant 0 : i32
        %dma_start3A_436 = arith.constant 0 : i32
        %dma_start3A_437 = tpu.memref_slice %arg9[%run_scoped3A_423, %dma_start3A_435, %dma_start3A_436] : memref<4x64x129xf32, #tpu.memory_space<vmem>> -> memref<1x64x128xf32, #tpu.memory_space<vmem>>
        %dma_start3A_438 = tpu.memref_squeeze %dma_start3A_437 : memref<1x64x128xf32, #tpu.memory_space<vmem>> -> memref<64x128xf32, #tpu.memory_space<vmem>>
        tpu.enqueue_dma source(%dma_start3A_438 : memref<64x128xf32, #tpu.memory_space<vmem>>) target(%dma_start3A_434 : memref<64x128xf32, #tpu.memory_space<hbm>>) target_semaphore(%run_scoped3A_424 : memref<!tpu.dma_semaphore, #tpu.memory_space<semaphore_mem>>)
        %dma_wait3A_439 = arith.constant 0 : i32
        %dma_wait3A_440 = arith.constant 0 : i32
        %dma_wait3A_441 = tpu.memref_slice %arg9[%run_scoped3A_423, %dma_wait3A_439, %dma_wait3A_440] : memref<4x64x129xf32, #tpu.memory_space<vmem>> -> memref<1x64x128xf32, #tpu.memory_space<vmem>>
        %dma_wait3A_442 = tpu.memref_squeeze %dma_wait3A_441 : memref<1x64x128xf32, #tpu.memory_space<vmem>> -> memref<64x128xf32, #tpu.memory_space<vmem>>
        %dma_wait3A_443 = arith.constant 0 : i32
        %dma_wait3A_444 = tpu.memref_slice %arg4[%select_n3A_361, %add3A_422, %dma_wait3A_443] : memref<50x4096x128xf32, #tpu.memory_space<hbm>> -> memref<1x64x128xf32, #tpu.memory_space<hbm>>
        %dma_wait3A_445 = tpu.memref_squeeze %dma_wait3A_444 : memref<1x64x128xf32, #tpu.memory_space<hbm>> -> memref<64x128xf32, #tpu.memory_space<hbm>>
        %dma_wait3A_446 = arith.constant 0 : i32
        %dma_wait3A_447 = tpu.memref_slice %arg4[%select_n3A_361, %add3A_422, %dma_wait3A_446] : memref<50x4096x128xf32, #tpu.memory_space<hbm>> -> memref<1x64x128xf32, #tpu.memory_space<hbm>>
        %dma_wait3A_448 = tpu.memref_squeeze %dma_wait3A_447 : memref<1x64x128xf32, #tpu.memory_space<hbm>> -> memref<64x128xf32, #tpu.memory_space<hbm>>
        %dma_wait3A_449 = arith.constant 0 : i32
        %dma_wait3A_450 = arith.constant 0 : i32
        %dma_wait3A_451 = tpu.memref_slice %arg9[%run_scoped3A_423, %dma_wait3A_449, %dma_wait3A_450] : memref<4x64x129xf32, #tpu.memory_space<vmem>> -> memref<1x64x128xf32, #tpu.memory_space<vmem>>
        %dma_wait3A_452 = tpu.memref_squeeze %dma_wait3A_451 : memref<1x64x128xf32, #tpu.memory_space<vmem>> -> memref<64x128xf32, #tpu.memory_space<vmem>>
        tpu.wait_dma2 semaphore(%run_scoped3A_424 : memref<!tpu.dma_semaphore, #tpu.memory_space<semaphore_mem>>) src(%dma_wait3A_452 : memref<64x128xf32, #tpu.memory_space<vmem>>) dst(%dma_wait3A_448 : memref<64x128xf32, #tpu.memory_space<hbm>>)
        tpu.yield
      }) : () -> ()
    }
    %scan3A_44 = arith.constant 12 : i32
    %add3A_45 = arith.constant 768 : i32
    %add3A_46 = arith.addi %add3A, %add3A_45 : i32
    %jit3A_47 = arith.constant 16 : i32
    %div3A_48 = arith.divsi %add3A_46, %jit3A_47 : i32
    %sign3A_49 = arith.constant 0 : i32
    %sign3A_50 = arith.cmpi sgt, %add3A_46, %sign3A_49 : i32
    %sign3A_51 = arith.extui %sign3A_50 : i1 to i32
    %sign3A_52 = arith.constant 0 : i32
    %sign3A_53 = arith.cmpi slt, %add3A_46, %sign3A_52 : i32
    %sign3A_54 = arith.extui %sign3A_53 : i1 to i32
    %sign3A_55 = arith.subi %sign3A_51, %sign3A_54 : i32
    %sign3A_56 = arith.constant 0 : i32
    %sign3A_57 = arith.cmpi sgt, %jit3A_47, %sign3A_56 : i32
    %sign3A_58 = arith.extui %sign3A_57 : i1 to i32
    %sign3A_59 = arith.constant 0 : i32
    %sign3A_60 = arith.cmpi slt, %jit3A_47, %sign3A_59 : i32
    %sign3A_61 = arith.extui %sign3A_60 : i1 to i32
    %sign3A_62 = arith.subi %sign3A_58, %sign3A_61 : i32
    %ne3A_63 = arith.cmpi ne, %sign3A_55, %sign3A_62 : i32
    %rem3A_64 = arith.remsi %add3A_46, %jit3A_47 : i32
    %ne3A_65 = arith.constant 0 : i32
    %ne3A_66 = arith.cmpi ne, %rem3A_64, %ne3A_65 : i32
    %and3A_67 = arith.andi %ne3A_63, %ne3A_66 : i1
    %sub3A_68 = arith.constant 1 : i32
    %sub3A_69 = arith.subi %div3A_48, %sub3A_68 : i32
    %select_n3A_70 = arith.select %and3A_67, %sub3A_69, %div3A_48 : i32
    %jit3A_71 = arith.constant 16 : i32
    %eq3A_72 = arith.constant 0 : i32
    %eq3A_73 = arith.cmpi eq, %jit3A_71, %eq3A_72 : i32
    %jit3A_74 = arith.constant 1 : i32
    %select_n3A_75 = arith.select %eq3A_73, %jit3A_74, %jit3A_71 : i32
    %rem3A_76 = arith.remsi %add3A_46, %select_n3A_75 : i32
    %ne3A_77 = arith.constant 0 : i32
    %ne3A_78 = arith.cmpi ne, %rem3A_76, %ne3A_77 : i32
    %lt3A_79 = arith.constant 0 : i32
    %lt3A_80 = arith.cmpi slt, %rem3A_76, %lt3A_79 : i32
    %lt3A_81 = arith.constant 0 : i32
    %lt3A_82 = arith.cmpi slt, %select_n3A_75, %lt3A_81 : i32
    %ne3A_83 = arith.xori %lt3A_80, %lt3A_82 : i1
    %and3A_84 = arith.andi %ne3A_83, %ne3A_78 : i1
    %add3A_85 = arith.addi %rem3A_76, %select_n3A_75 : i32
    %select_n3A_86 = arith.select %and3A_84, %add3A_85, %rem3A_76 : i32
    %dma_wait3A = arith.constant 0 : i32
    %dma_wait3A_87 = arith.constant 0 : i32
    %dma_wait3A_88 = tpu.memref_slice %arg2[%dma_wait3A, %dma_wait3A_87] : memref<1000000x32xf32, #tpu.memory_space<hbm>> -> memref<1000000x32xf32, #tpu.memory_space<hbm>>
    tpu.wait_indirect_dma semaphore(%arg10 : memref<!tpu.dma_semaphore, #tpu.memory_space<semaphore_mem>>) src(%dma_wait3A_88 : memref<1000000x32xf32, #tpu.memory_space<hbm>>) dst(%arg7 : memref<1024x32xf32, #tpu.memory_space<vmem>>)
    %and3A_89 = arith.constant 7 : i32
    %and3A_90 = vector.broadcast %and3A_89 : i32 to vector<16xi32>
    %and3A_91 = arith.andi %iota3A, %and3A_90 : vector<16xi32>
    %shift_right_arithmetic3A = arith.constant 3 : i32
    %shift_right_arithmetic3A_92 = vector.broadcast %shift_right_arithmetic3A : i32 to vector<16xi32>
    %shift_right_arithmetic3A_93 = arith.shrsi %iota3A, %shift_right_arithmetic3A_92 : vector<16xi32>
    %shift_right_arithmetic3A_94 = arith.constant 3 : i32
    %shift_right_arithmetic3A_95 = vector.broadcast %shift_right_arithmetic3A_94 : i32 to vector<16xi32>
    %shift_right_arithmetic3A_96 = arith.shrsi %iota3A, %shift_right_arithmetic3A_95 : vector<16xi32>
    %add3A_97 = arith.constant 2 : i32
    %add3A_98 = vector.broadcast %add3A_97 : i32 to vector<16xi32>
    %add3A_99 = arith.addi %shift_right_arithmetic3A_96, %add3A_98 : vector<16xi32>
    %parallel_loop3A = arith.constant 0 : i32
    %parallel_loop3A_100 = arith.constant 1024 : i32
    %parallel_loop3A_101 = arith.constant 1 : i32
    scf.for %parallel_loop3A_129 = %parallel_loop3A to %parallel_loop3A_100 step %parallel_loop3A_101  : i32 {
      %parallel_loop3A_130 = arith.constant 7 : i32
      %parallel_loop3A_131 = arith.shrsi %parallel_loop3A_129, %parallel_loop3A_130 : i32
      %parallel_loop3A_132 = arith.constant 3 : i32
      %parallel_loop3A_133 = arith.shli %parallel_loop3A_131, %parallel_loop3A_132 : i32
      %parallel_loop3A_134 = vector.broadcast %parallel_loop3A_133 : i32 to vector<16xi32>
      %parallel_loop3A_135 = arith.addi %and3A_91, %parallel_loop3A_134 : vector<16xi32>
      %parallel_loop3A_136 = arith.constant 0 : i32
      %parallel_loop3A_137 = vector.broadcast %parallel_loop3A_136 : i32 to vector<16xi32>
      %parallel_loop3A_138 = arith.muli %iota3A, %parallel_loop3A_137 : vector<16xi32>
      %parallel_loop3A_139 = arith.constant 127 : i32
      %parallel_loop3A_140 = arith.andi %parallel_loop3A_129, %parallel_loop3A_139 : i32
      %parallel_loop3A_141 = vector.broadcast %parallel_loop3A_140 : i32 to vector<16xi32>
      %parallel_loop3A_142 = arith.addi %parallel_loop3A_138, %parallel_loop3A_141 : vector<16xi32>
      %parallel_loop3A_143 = arith.index_cast %parallel_loop3A_129 : i32 to index
      %parallel_loop3A_144 = arith.constant 0 : index
      %parallel_loop3A_145 = tpu.vector_load %arg7[%parallel_loop3A_143, %parallel_loop3A_144] {strides = array<i32>} : memref<1024x32xf32, #tpu.memory_space<vmem>>, vector<16xf32>,
      tpu.vector_store_idx %arg9[%shift_right_arithmetic3A_93, %parallel_loop3A_135, %parallel_loop3A_142], %parallel_loop3A_145 : memref<4x64x129xf32, #tpu.memory_space<vmem>>[vector<16xi32>, vector<16xi32>, vector<16xi32>], vector<16xf32>,
      %parallel_loop3A_146 = arith.index_cast %parallel_loop3A_129 : i32 to index
      %parallel_loop3A_147 = arith.constant 16 : index
      %parallel_loop3A_148 = tpu.vector_load %arg7[%parallel_loop3A_146, %parallel_loop3A_147] {strides = array<i32>} : memref<1024x32xf32, #tpu.memory_space<vmem>>, vector<16xf32>,
      tpu.vector_store_idx %arg9[%add3A_99, %parallel_loop3A_135, %parallel_loop3A_142], %parallel_loop3A_148 : memref<4x64x129xf32, #tpu.memory_space<vmem>>[vector<16xi32>, vector<16xi32>, vector<16xi32>], vector<16xf32>,
    } {sc.loop_unroll_factor = 4 : i64, sc.parallel_access}
    %mul3A_102 = arith.constant 8 : i32
    %mul3A_103 = arith.muli %select_n3A_86, %mul3A_102 : i32
    %mul3A_104 = arith.constant 8 : i32
    %mul3A_105 = arith.muli %mul3A_103, %mul3A_104 : i32
    %add3A_106 = arith.constant 0 : i32
    %add3A_107 = arith.addi %add3A_106, %mul3A_105 : i32
    %run_scoped3A = arith.constant 0 : i32
    "tpu.region"() ({
      %run_scoped3A_129 = tpu.sem_alloc : memref<!tpu.dma_semaphore, #tpu.memory_space<semaphore_mem>>
      %dma_start3A_130 = arith.constant 0 : i32
      %dma_start3A_131 = arith.constant 0 : i32
      %dma_start3A_132 = tpu.memref_slice %arg9[%run_scoped3A, %dma_start3A_130, %dma_start3A_131] : memref<4x64x129xf32, #tpu.memory_space<vmem>> -> memref<1x64x128xf32, #tpu.memory_space<vmem>>
      %dma_start3A_133 = tpu.memref_squeeze %dma_start3A_132 : memref<1x64x128xf32, #tpu.memory_space<vmem>> -> memref<64x128xf32, #tpu.memory_space<vmem>>
      %dma_start3A_134 = arith.constant 0 : i32
      %dma_start3A_135 = tpu.memref_slice %arg4[%select_n3A_70, %add3A_107, %dma_start3A_134] : memref<50x4096x128xf32, #tpu.memory_space<hbm>> -> memref<1x64x128xf32, #tpu.memory_space<hbm>>
      %dma_start3A_136 = tpu.memref_squeeze %dma_start3A_135 : memref<1x64x128xf32, #tpu.memory_space<hbm>> -> memref<64x128xf32, #tpu.memory_space<hbm>>
      %dma_start3A_137 = arith.constant 0 : i32
      %dma_start3A_138 = tpu.memref_slice %arg4[%select_n3A_70, %add3A_107, %dma_start3A_137] : memref<50x4096x128xf32, #tpu.memory_space<hbm>> -> memref<1x64x128xf32, #tpu.memory_space<hbm>>
      %dma_start3A_139 = tpu.memref_squeeze %dma_start3A_138 : memref<1x64x128xf32, #tpu.memory_space<hbm>> -> memref<64x128xf32, #tpu.memory_space<hbm>>
      %dma_start3A_140 = arith.constant 0 : i32
      %dma_start3A_141 = arith.constant 0 : i32
      %dma_start3A_142 = tpu.memref_slice %arg9[%run_scoped3A, %dma_start3A_140, %dma_start3A_141] : memref<4x64x129xf32, #tpu.memory_space<vmem>> -> memref<1x64x128xf32, #tpu.memory_space<vmem>>
      %dma_start3A_143 = tpu.memref_squeeze %dma_start3A_142 : memref<1x64x128xf32, #tpu.memory_space<vmem>> -> memref<64x128xf32, #tpu.memory_space<vmem>>
      tpu.enqueue_dma source(%dma_start3A_143 : memref<64x128xf32, #tpu.memory_space<vmem>>) target(%dma_start3A_139 : memref<64x128xf32, #tpu.memory_space<hbm>>) target_semaphore(%run_scoped3A_129 : memref<!tpu.dma_semaphore, #tpu.memory_space<semaphore_mem>>)
      %dma_wait3A_144 = arith.constant 0 : i32
      %dma_wait3A_145 = arith.constant 0 : i32
      %dma_wait3A_146 = tpu.memref_slice %arg9[%run_scoped3A, %dma_wait3A_144, %dma_wait3A_145] : memref<4x64x129xf32, #tpu.memory_space<vmem>> -> memref<1x64x128xf32, #tpu.memory_space<vmem>>
      %dma_wait3A_147 = tpu.memref_squeeze %dma_wait3A_146 : memref<1x64x128xf32, #tpu.memory_space<vmem>> -> memref<64x128xf32, #tpu.memory_space<vmem>>
      %dma_wait3A_148 = arith.constant 0 : i32
      %dma_wait3A_149 = tpu.memref_slice %arg4[%select_n3A_70, %add3A_107, %dma_wait3A_148] : memref<50x4096x128xf32, #tpu.memory_space<hbm>> -> memref<1x64x128xf32, #tpu.memory_space<hbm>>
      %dma_wait3A_150 = tpu.memref_squeeze %dma_wait3A_149 : memref<1x64x128xf32, #tpu.memory_space<hbm>> -> memref<64x128xf32, #tpu.memory_space<hbm>>
      %dma_wait3A_151 = arith.constant 0 : i32
      %dma_wait3A_152 = tpu.memref_slice %arg4[%select_n3A_70, %add3A_107, %dma_wait3A_151] : memref<50x4096x128xf32, #tpu.memory_space<hbm>> -> memref<1x64x128xf32, #tpu.memory_space<hbm>>
      %dma_wait3A_153 = tpu.memref_squeeze %dma_wait3A_152 : memref<1x64x128xf32, #tpu.memory_space<hbm>> -> memref<64x128xf32, #tpu.memory_space<hbm>>
      %dma_wait3A_154 = arith.constant 0 : i32
      %dma_wait3A_155 = arith.constant 0 : i32
      %dma_wait3A_156 = tpu.memref_slice %arg9[%run_scoped3A, %dma_wait3A_154, %dma_wait3A_155] : memref<4x64x129xf32, #tpu.memory_space<vmem>> -> memref<1x64x128xf32, #tpu.memory_space<vmem>>
      %dma_wait3A_157 = tpu.memref_squeeze %dma_wait3A_156 : memref<1x64x128xf32, #tpu.memory_space<vmem>> -> memref<64x128xf32, #tpu.memory_space<vmem>>
      tpu.wait_dma2 semaphore(%run_scoped3A_129 : memref<!tpu.dma_semaphore, #tpu.memory_space<semaphore_mem>>) src(%dma_wait3A_157 : memref<64x128xf32, #tpu.memory_space<vmem>>) dst(%dma_wait3A_153 : memref<64x128xf32, #tpu.memory_space<hbm>>)
      tpu.yield
    }) : () -> ()
    %mul3A_108 = arith.constant 8 : i32
    %mul3A_109 = arith.muli %select_n3A_86, %mul3A_108 : i32
    %mul3A_110 = arith.constant 8 : i32
    %mul3A_111 = arith.muli %mul3A_109, %mul3A_110 : i32
    %add3A_112 = arith.constant 1024 : i32
    %add3A_113 = arith.addi %add3A_112, %mul3A_111 : i32
    %run_scoped3A_114 = arith.constant 1 : i32
    "tpu.region"() ({
      %run_scoped3A_129 = tpu.sem_alloc : memref<!tpu.dma_semaphore, #tpu.memory_space<semaphore_mem>>
      %dma_start3A_130 = arith.constant 0 : i32
      %dma_start3A_131 = arith.constant 0 : i32
      %dma_start3A_132 = tpu.memref_slice %arg9[%run_scoped3A_114, %dma_start3A_130, %dma_start3A_131] : memref<4x64x129xf32, #tpu.memory_space<vmem>> -> memref<1x64x128xf32, #tpu.memory_space<vmem>>
      %dma_start3A_133 = tpu.memref_squeeze %dma_start3A_132 : memref<1x64x128xf32, #tpu.memory_space<vmem>> -> memref<64x128xf32, #tpu.memory_space<vmem>>
      %dma_start3A_134 = arith.constant 0 : i32
      %dma_start3A_135 = tpu.memref_slice %arg4[%select_n3A_70, %add3A_113, %dma_start3A_134] : memref<50x4096x128xf32, #tpu.memory_space<hbm>> -> memref<1x64x128xf32, #tpu.memory_space<hbm>>
      %dma_start3A_136 = tpu.memref_squeeze %dma_start3A_135 : memref<1x64x128xf32, #tpu.memory_space<hbm>> -> memref<64x128xf32, #tpu.memory_space<hbm>>
      %dma_start3A_137 = arith.constant 0 : i32
      %dma_start3A_138 = tpu.memref_slice %arg4[%select_n3A_70, %add3A_113, %dma_start3A_137] : memref<50x4096x128xf32, #tpu.memory_space<hbm>> -> memref<1x64x128xf32, #tpu.memory_space<hbm>>
      %dma_start3A_139 = tpu.memref_squeeze %dma_start3A_138 : memref<1x64x128xf32, #tpu.memory_space<hbm>> -> memref<64x128xf32, #tpu.memory_space<hbm>>
      %dma_start3A_140 = arith.constant 0 : i32
      %dma_start3A_141 = arith.constant 0 : i32
      %dma_start3A_142 = tpu.memref_slice %arg9[%run_scoped3A_114, %dma_start3A_140, %dma_start3A_141] : memref<4x64x129xf32, #tpu.memory_space<vmem>> -> memref<1x64x128xf32, #tpu.memory_space<vmem>>
      %dma_start3A_143 = tpu.memref_squeeze %dma_start3A_142 : memref<1x64x128xf32, #tpu.memory_space<vmem>> -> memref<64x128xf32, #tpu.memory_space<vmem>>
      tpu.enqueue_dma source(%dma_start3A_143 : memref<64x128xf32, #tpu.memory_space<vmem>>) target(%dma_start3A_139 : memref<64x128xf32, #tpu.memory_space<hbm>>) target_semaphore(%run_scoped3A_129 : memref<!tpu.dma_semaphore, #tpu.memory_space<semaphore_mem>>)
      %dma_wait3A_144 = arith.constant 0 : i32
      %dma_wait3A_145 = arith.constant 0 : i32
      %dma_wait3A_146 = tpu.memref_slice %arg9[%run_scoped3A_114, %dma_wait3A_144, %dma_wait3A_145] : memref<4x64x129xf32, #tpu.memory_space<vmem>> -> memref<1x64x128xf32, #tpu.memory_space<vmem>>
      %dma_wait3A_147 = tpu.memref_squeeze %dma_wait3A_146 : memref<1x64x128xf32, #tpu.memory_space<vmem>> -> memref<64x128xf32, #tpu.memory_space<vmem>>
      %dma_wait3A_148 = arith.constant 0 : i32
      %dma_wait3A_149 = tpu.memref_slice %arg4[%select_n3A_70, %add3A_113, %dma_wait3A_148] : memref<50x4096x128xf32, #tpu.memory_space<hbm>> -> memref<1x64x128xf32, #tpu.memory_space<hbm>>
      %dma_wait3A_150 = tpu.memref_squeeze %dma_wait3A_149 : memref<1x64x128xf32, #tpu.memory_space<hbm>> -> memref<64x128xf32, #tpu.memory_space<hbm>>
      %dma_wait3A_151 = arith.constant 0 : i32
      %dma_wait3A_152 = tpu.memref_slice %arg4[%select_n3A_70, %add3A_113, %dma_wait3A_151] : memref<50x4096x128xf32, #tpu.memory_space<hbm>> -> memref<1x64x128xf32, #tpu.memory_space<hbm>>
      %dma_wait3A_153 = tpu.memref_squeeze %dma_wait3A_152 : memref<1x64x128xf32, #tpu.memory_space<hbm>> -> memref<64x128xf32, #tpu.memory_space<hbm>>
      %dma_wait3A_154 = arith.constant 0 : i32
      %dma_wait3A_155 = arith.constant 0 : i32
      %dma_wait3A_156 = tpu.memref_slice %arg9[%run_scoped3A_114, %dma_wait3A_154, %dma_wait3A_155] : memref<4x64x129xf32, #tpu.memory_space<vmem>> -> memref<1x64x128xf32, #tpu.memory_space<vmem>>
      %dma_wait3A_157 = tpu.memref_squeeze %dma_wait3A_156 : memref<1x64x128xf32, #tpu.memory_space<vmem>> -> memref<64x128xf32, #tpu.memory_space<vmem>>
      tpu.wait_dma2 semaphore(%run_scoped3A_129 : memref<!tpu.dma_semaphore, #tpu.memory_space<semaphore_mem>>) src(%dma_wait3A_157 : memref<64x128xf32, #tpu.memory_space<vmem>>) dst(%dma_wait3A_153 : memref<64x128xf32, #tpu.memory_space<hbm>>)
      tpu.yield
    }) : () -> ()
    %mul3A_115 = arith.constant 8 : i32
    %mul3A_116 = arith.muli %select_n3A_86, %mul3A_115 : i32
    %mul3A_117 = arith.constant 8 : i32
    %mul3A_118 = arith.muli %mul3A_116, %mul3A_117 : i32
    %add3A_119 = arith.constant 2048 : i32
    %add3A_120 = arith.addi %add3A_119, %mul3A_118 : i32
    %run_scoped3A_121 = arith.constant 2 : i32
    "tpu.region"() ({
      %run_scoped3A_129 = tpu.sem_alloc : memref<!tpu.dma_semaphore, #tpu.memory_space<semaphore_mem>>
      %dma_start3A_130 = arith.constant 0 : i32
      %dma_start3A_131 = arith.constant 0 : i32
      %dma_start3A_132 = tpu.memref_slice %arg9[%run_scoped3A_121, %dma_start3A_130, %dma_start3A_131] : memref<4x64x129xf32, #tpu.memory_space<vmem>> -> memref<1x64x128xf32, #tpu.memory_space<vmem>>
      %dma_start3A_133 = tpu.memref_squeeze %dma_start3A_132 : memref<1x64x128xf32, #tpu.memory_space<vmem>> -> memref<64x128xf32, #tpu.memory_space<vmem>>
      %dma_start3A_134 = arith.constant 0 : i32
      %dma_start3A_135 = tpu.memref_slice %arg4[%select_n3A_70, %add3A_120, %dma_start3A_134] : memref<50x4096x128xf32, #tpu.memory_space<hbm>> -> memref<1x64x128xf32, #tpu.memory_space<hbm>>
      %dma_start3A_136 = tpu.memref_squeeze %dma_start3A_135 : memref<1x64x128xf32, #tpu.memory_space<hbm>> -> memref<64x128xf32, #tpu.memory_space<hbm>>
      %dma_start3A_137 = arith.constant 0 : i32
      %dma_start3A_138 = tpu.memref_slice %arg4[%select_n3A_70, %add3A_120, %dma_start3A_137] : memref<50x4096x128xf32, #tpu.memory_space<hbm>> -> memref<1x64x128xf32, #tpu.memory_space<hbm>>
      %dma_start3A_139 = tpu.memref_squeeze %dma_start3A_138 : memref<1x64x128xf32, #tpu.memory_space<hbm>> -> memref<64x128xf32, #tpu.memory_space<hbm>>
      %dma_start3A_140 = arith.constant 0 : i32
      %dma_start3A_141 = arith.constant 0 : i32
      %dma_start3A_142 = tpu.memref_slice %arg9[%run_scoped3A_121, %dma_start3A_140, %dma_start3A_141] : memref<4x64x129xf32, #tpu.memory_space<vmem>> -> memref<1x64x128xf32, #tpu.memory_space<vmem>>
      %dma_start3A_143 = tpu.memref_squeeze %dma_start3A_142 : memref<1x64x128xf32, #tpu.memory_space<vmem>> -> memref<64x128xf32, #tpu.memory_space<vmem>>
      tpu.enqueue_dma source(%dma_start3A_143 : memref<64x128xf32, #tpu.memory_space<vmem>>) target(%dma_start3A_139 : memref<64x128xf32, #tpu.memory_space<hbm>>) target_semaphore(%run_scoped3A_129 : memref<!tpu.dma_semaphore, #tpu.memory_space<semaphore_mem>>)
      %dma_wait3A_144 = arith.constant 0 : i32
      %dma_wait3A_145 = arith.constant 0 : i32
      %dma_wait3A_146 = tpu.memref_slice %arg9[%run_scoped3A_121, %dma_wait3A_144, %dma_wait3A_145] : memref<4x64x129xf32, #tpu.memory_space<vmem>> -> memref<1x64x128xf32, #tpu.memory_space<vmem>>
      %dma_wait3A_147 = tpu.memref_squeeze %dma_wait3A_146 : memref<1x64x128xf32, #tpu.memory_space<vmem>> -> memref<64x128xf32, #tpu.memory_space<vmem>>
      %dma_wait3A_148 = arith.constant 0 : i32
      %dma_wait3A_149 = tpu.memref_slice %arg4[%select_n3A_70, %add3A_120, %dma_wait3A_148] : memref<50x4096x128xf32, #tpu.memory_space<hbm>> -> memref<1x64x128xf32, #tpu.memory_space<hbm>>
      %dma_wait3A_150 = tpu.memref_squeeze %dma_wait3A_149 : memref<1x64x128xf32, #tpu.memory_space<hbm>> -> memref<64x128xf32, #tpu.memory_space<hbm>>
      %dma_wait3A_151 = arith.constant 0 : i32
      %dma_wait3A_152 = tpu.memref_slice %arg4[%select_n3A_70, %add3A_120, %dma_wait3A_151] : memref<50x4096x128xf32, #tpu.memory_space<hbm>> -> memref<1x64x128xf32, #tpu.memory_space<hbm>>
      %dma_wait3A_153 = tpu.memref_squeeze %dma_wait3A_152 : memref<1x64x128xf32, #tpu.memory_space<hbm>> -> memref<64x128xf32, #tpu.memory_space<hbm>>
      %dma_wait3A_154 = arith.constant 0 : i32
      %dma_wait3A_155 = arith.constant 0 : i32
      %dma_wait3A_156 = tpu.memref_slice %arg9[%run_scoped3A_121, %dma_wait3A_154, %dma_wait3A_155] : memref<4x64x129xf32, #tpu.memory_space<vmem>> -> memref<1x64x128xf32, #tpu.memory_space<vmem>>
      %dma_wait3A_157 = tpu.memref_squeeze %dma_wait3A_156 : memref<1x64x128xf32, #tpu.memory_space<vmem>> -> memref<64x128xf32, #tpu.memory_space<vmem>>
      tpu.wait_dma2 semaphore(%run_scoped3A_129 : memref<!tpu.dma_semaphore, #tpu.memory_space<semaphore_mem>>) src(%dma_wait3A_157 : memref<64x128xf32, #tpu.memory_space<vmem>>) dst(%dma_wait3A_153 : memref<64x128xf32, #tpu.memory_space<hbm>>)
      tpu.yield
    }) : () -> ()
    %mul3A_122 = arith.constant 8 : i32
    %mul3A_123 = arith.muli %select_n3A_86, %mul3A_122 : i32
    %mul3A_124 = arith.constant 8 : i32
    %mul3A_125 = arith.muli %mul3A_123, %mul3A_124 : i32
    %add3A_126 = arith.constant 3072 : i32
    %add3A_127 = arith.addi %add3A_126, %mul3A_125 : i32
    %run_scoped3A_128 = arith.constant 3 : i32
    "tpu.region"() ({
      %run_scoped3A_129 = tpu.sem_alloc : memref<!tpu.dma_semaphore, #tpu.memory_space<semaphore_mem>>
      %dma_start3A_130 = arith.constant 0 : i32
      %dma_start3A_131 = arith.constant 0 : i32
      %dma_start3A_132 = tpu.memref_slice %arg9[%run_scoped3A_128, %dma_start3A_130, %dma_start3A_131] : memref<4x64x129xf32, #tpu.memory_space<vmem>> -> memref<1x64x128xf32, #tpu.memory_space<vmem>>
      %dma_start3A_133 = tpu.memref_squeeze %dma_start3A_132 : memref<1x64x128xf32, #tpu.memory_space<vmem>> -> memref<64x128xf32, #tpu.memory_space<vmem>>
      %dma_start3A_134 = arith.constant 0 : i32
      %dma_start3A_135 = tpu.memref_slice %arg4[%select_n3A_70, %add3A_127, %dma_start3A_134] : memref<50x4096x128xf32, #tpu.memory_space<hbm>> -> memref<1x64x128xf32, #tpu.memory_space<hbm>>
      %dma_start3A_136 = tpu.memref_squeeze %dma_start3A_135 : memref<1x64x128xf32, #tpu.memory_space<hbm>> -> memref<64x128xf32, #tpu.memory_space<hbm>>
      %dma_start3A_137 = arith.constant 0 : i32
      %dma_start3A_138 = tpu.memref_slice %arg4[%select_n3A_70, %add3A_127, %dma_start3A_137] : memref<50x4096x128xf32, #tpu.memory_space<hbm>> -> memref<1x64x128xf32, #tpu.memory_space<hbm>>
      %dma_start3A_139 = tpu.memref_squeeze %dma_start3A_138 : memref<1x64x128xf32, #tpu.memory_space<hbm>> -> memref<64x128xf32, #tpu.memory_space<hbm>>
      %dma_start3A_140 = arith.constant 0 : i32
      %dma_start3A_141 = arith.constant 0 : i32
      %dma_start3A_142 = tpu.memref_slice %arg9[%run_scoped3A_128, %dma_start3A_140, %dma_start3A_141] : memref<4x64x129xf32, #tpu.memory_space<vmem>> -> memref<1x64x128xf32, #tpu.memory_space<vmem>>
      %dma_start3A_143 = tpu.memref_squeeze %dma_start3A_142 : memref<1x64x128xf32, #tpu.memory_space<vmem>> -> memref<64x128xf32, #tpu.memory_space<vmem>>
      tpu.enqueue_dma source(%dma_start3A_143 : memref<64x128xf32, #tpu.memory_space<vmem>>) target(%dma_start3A_139 : memref<64x128xf32, #tpu.memory_space<hbm>>) target_semaphore(%run_scoped3A_129 : memref<!tpu.dma_semaphore, #tpu.memory_space<semaphore_mem>>)
      %dma_wait3A_144 = arith.constant 0 : i32
      %dma_wait3A_145 = arith.constant 0 : i32
      %dma_wait3A_146 = tpu.memref_slice %arg9[%run_scoped3A_128, %dma_wait3A_144, %dma_wait3A_145] : memref<4x64x129xf32, #tpu.memory_space<vmem>> -> memref<1x64x128xf32, #tpu.memory_space<vmem>>
      %dma_wait3A_147 = tpu.memref_squeeze %dma_wait3A_146 : memref<1x64x128xf32, #tpu.memory_space<vmem>> -> memref<64x128xf32, #tpu.memory_space<vmem>>
      %dma_wait3A_148 = arith.constant 0 : i32
      %dma_wait3A_149 = tpu.memref_slice %arg4[%select_n3A_70, %add3A_127, %dma_wait3A_148] : memref<50x4096x128xf32, #tpu.memory_space<hbm>> -> memref<1x64x128xf32, #tpu.memory_space<hbm>>
      %dma_wait3A_150 = tpu.memref_squeeze %dma_wait3A_149 : memref<1x64x128xf32, #tpu.memory_space<hbm>> -> memref<64x128xf32, #tpu.memory_space<hbm>>
      %dma_wait3A_151 = arith.constant 0 : i32
      %dma_wait3A_152 = tpu.memref_slice %arg4[%select_n3A_70, %add3A_127, %dma_wait3A_151] : memref<50x4096x128xf32, #tpu.memory_space<hbm>> -> memref<1x64x128xf32, #tpu.memory_space<hbm>>
      %dma_wait3A_153 = tpu.memref_squeeze %dma_wait3A_152 : memref<1x64x128xf32, #tpu.memory_space<hbm>> -> memref<64x128xf32, #tpu.memory_space<hbm>>
      %dma_wait3A_154 = arith.constant 0 : i32
      %dma_wait3A_155 = arith.constant 0 : i32
      %dma_wait3A_156 = tpu.memref_slice %arg9[%run_scoped3A_128, %dma_wait3A_154, %dma_wait3A_155] : memref<4x64x129xf32, #tpu.memory_space<vmem>> -> memref<1x64x128xf32, #tpu.memory_space<vmem>>
      %dma_wait3A_157 = tpu.memref_squeeze %dma_wait3A_156 : memref<1x64x128xf32, #tpu.memory_space<vmem>> -> memref<64x128xf32, #tpu.memory_space<vmem>>
      tpu.wait_dma2 semaphore(%run_scoped3A_129 : memref<!tpu.dma_semaphore, #tpu.memory_space<semaphore_mem>>) src(%dma_wait3A_157 : memref<64x128xf32, #tpu.memory_space<vmem>>) dst(%dma_wait3A_153 : memref<64x128xf32, #tpu.memory_space<hbm>>)
      tpu.yield
    }) : () -> ()
    return
  }
}

</mosaic_0001>

<sc_bundles>
// kernel: kernel.3.cloned.1.call-start
scs
__scs_entry_jumppad:
0x0: {  	(pc) =	sbr.rel $0x88, $3  }
0x1: {  	(tag) =	ssettag $0x0;
	lr =	simm.s32 $0x1  }
0x2: {  	[smem:$0x3F9F] =	sst lr;
	_ =	strace $0xD0000000  }
0x3: {  	_ = 	snop  }
0x4: {  	_ = 	snop  }
0x5: {  	_ = 	snop  }
0x6: {  	_ = 	snop  }
0x7: {  	_ = 	snop  }
__scs_overlays_trampoline_lowered:
0x8: {  	[smem:$0x3FAE] =	sst s0  }
0x9: {  	[smem:$0x3FAF] =	sst s1  }
0xa: {  	[smem:$0x3FB0] =	sst s2  }
0xb: {  	[smem:$0x3FB1] =	sst s3  }
0xc: {  	[smem:$0x3FB2] =	sst s4  }
0xd: {  	[smem:$0x3FB3] =	sst s5  }
0xe: {  	[smem:$0x3FB4] =	sst s6  }
0xf: {  	[smem:$0x3FB5] =	sst s7  }
0x10: {  	[smem:$0x3FB6] =	sst s8  }
0x11: {  	[smem:$0x3FB7] =	sst s9;
	s0 =	simm.s32 @!p0 $0x0  }
0x12: {  	s1 =	sld [smem:$0x3F9D];
	s0 =	simm.s32 @p0 $0x1  }
0x13: {  	[smem:$0x3FB8] =	sst s0;
	s0 =	simm.s32 @!p1 $0x0  }
0x14: {  	s2 =	sld [smem:$0x3F9C];
	s0 =	simm.s32 @p1 $0x1  }
0x15: {  	[smem:$0x3FB9] =	sst s0;
	s0 =	simm.s32 @!p2 $0x0  }
0x16: {  	s3 =	sld [smem:$0x3FDB];
	s0 =	simm.s32 @p2 $0x1  }
0x17: {  	s4 =	simm.s32 $0x1BF5;
	[smem:$0x3FBB] =	sst s0  }
0x18: {  	s0 =	sld [smem:$0x3F9E];
	_ =	swait.ge [sflag:s4], $0x0  }
0x19: {  	s7 =	sld [smem:$0x3F9F]  }
0x1a: {  	s8 =	sadd.s32 $0xFFFFE003, lr  }
0x1b: {  	s9 =	sadd.s32 $0xFFFFFEF7, lr;
	s5 =	simm.s32 $0xFFFFFFFF;
	p2 =	slt.u32 s8, $0xFFFFF086  }
0x1c: {  	p1 =	slt.u32 s9, $0xF7A;
	s5 =	simm.s32 @!p2 $0x0  }
0x1d: {  	s5 =	simm.s32 @p1 $0x1;
	p0 =	seq.s32 s7, s2  }
0x1e: {  	s7 =	smul.u32 @!p0 $0xF7A, s2;
	p2 =	seq.s32 @!p0 s5, $0x0  }
0x1f: {  	s9 =	smul.u32 $0xF7A, s1;
	s8 =	simm.s32 @!p0 $0x1BF5;
	p2 =	por !p2, p0  }
0x20: {  	[sflag:s8] =	ssyncset.s32 @!p0 $0xFFFFF086;
	s6 =	sadd.s32 @!p0 s3, s7;
	s7 =	simm.s32 @!p0 $0x108  }
0x21: {  	s3 =	sadd.s32 s3, s9;
	s6 =	sadd.s32 @!p0 $0x88, s6;
	s7 =	simm.s32 @p2 $0x1082  }
0x22: {  	[simem:s7], [sflag:s8] =	dma.local @!p0 [hbm:s6], $0xF7A  }
0x23: {  	s9 =	sor.u32 $0xD0000000, s2;
	s6 =	simm.s32 $0x108;
	_ =	swait.ge @!p0 [sflag:s8], $0x0  }
0x24: {  	s3 =	sadd.s32 $0x88, s3;
	s6 =	simm.s32 @!p1 $0x1082;
	[sflag:s4] =	ssyncset.s32 $0xFFFFF086  }
0x25: {  	[simem:s6], [sflag:s4] =	dma.local [hbm:s3], $0xF7A  }
0x26: {  	[smem:$0x3F9F] =	sst s1;
	(tag) =	ssettag s2;
	_ =	strace s9  }
0x27: {  	s1 =	sld [smem:$0x3FAF]  }
0x28: {  	s2 =	sld [smem:$0x3FB0]  }
0x29: {  	s4 =	sld [smem:$0x3FB2]  }
0x2a: {  	p0 =	seq.s32 s5, $0x0;
	s5 =	sld [smem:$0x3FB3]  }
0x2b: {  	s6 =	sld [smem:$0x3FB4]  }
0x2c: {  	s7 =	sld [smem:$0x3FB5]  }
0x2d: {  	s3 =	simm.s32 $0x108;
	s8 =	sld [smem:$0x3FB6]  }
0x2e: {  	s3 =	simm.s32 @!p0 $0x1082;
	s9 =	sld [smem:$0x3FB7]  }
0x2f: {  	lr =	sadd.s32 s0, s3;
	s0 =	sld [smem:$0x3FAE]  }
0x30: {  	s3 =	sld [smem:$0x3FB1]  }
0x31: {  	[smem:$0x3FBA] =	sst s10  }
0x32: {  	s10 =	sld [smem:$0x3FB8];
	_ =	sdelay $0x3  }
0x33: {  	p0 =	seq.s32 s10, $0x1;
	s10 =	sld [smem:$0x3FBA];
	_ =	sdelay $0x3  }
0x34: {  	[smem:$0x3FBA] =	sst s10  }
0x35: {  	s10 =	sld [smem:$0x3FB9];
	_ =	sdelay $0x3  }
0x36: {  	p1 =	seq.s32 s10, $0x1;
	s10 =	sld [smem:$0x3FBA];
	_ =	sdelay $0x3  }
0x37: {  	[smem:$0x3FBA] =	sst s10  }
0x38: {  	s10 =	sld [smem:$0x3FBB]  }
0x39: {  	_ = 	snop;
	(pc) =	sbr.ind lr, $3  }
0x3a: {  	_ = 	snop  }
0x3b: {  	_ = 	snop  }
0x3c: {  	p2 =	seq.s32 s10, $0x1;
	s10 =	sld [smem:$0x3FBA]  }
0x3d: {  	_ =	shalt  }
0x3e: {  	_ =	shalt  }
0x3f: {  	_ =	shalt  }
0x40: {  	_ =	shalt  }
0x41: {  	_ =	shalt  }
0x42: {  	_ =	shalt  }
0x43: {  	_ =	shalt  }
0x44: {  	_ =	shalt  }
0x45: {  	_ =	shalt  }
0x46: {  	_ =	shalt  }
0x47: {  	_ =	shalt  }
0x48: {  	_ =	shalt  }
0x49: {  	_ =	shalt  }
0x4a: {  	_ =	shalt  }
0x4b: {  	_ =	shalt  }
0x4c: {  	_ =	shalt  }
0x4d: {  	_ =	shalt  }
0x4e: {  	_ =	shalt  }
0x4f: {  	_ =	shalt  }
0x50: {  	_ =	shalt  }
0x51: {  	_ =	shalt  }
0x52: {  	_ =	shalt  }
0x53: {  	_ =	shalt  }
0x54: {  	_ =	shalt  }
0x55: {  	_ =	shalt  }
0x56: {  	_ =	shalt  }
0x57: {  	_ =	shalt  }
0x58: {  	_ =	shalt  }
0x59: {  	_ =	shalt  }
0x5a: {  	_ =	shalt  }
0x5b: {  	_ =	shalt  }
0x5c: {  	_ =	shalt  }
0x5d: {  	_ =	shalt  }
0x5e: {  	_ =	shalt  }
0x5f: {  	_ =	shalt  }
0x60: {  	_ =	shalt  }
0x61: {  	_ =	shalt  }
0x62: {  	_ =	shalt  }
0x63: {  	_ =	shalt  }
0x64: {  	_ =	shalt  }
0x65: {  	_ =	shalt  }
0x66: {  	_ =	shalt  }
0x67: {  	_ =	shalt  }
0x68: {  	_ =	shalt  }
0x69: {  	_ =	shalt  }
0x6a: {  	_ =	shalt  }
0x6b: {  	_ =	shalt  }
0x6c: {  	_ =	shalt  }
0x6d: {  	_ =	shalt  }
0x6e: {  	_ =	shalt  }
0x6f: {  	_ =	shalt  }
0x70: {  	_ =	shalt  }
0x71: {  	_ =	shalt  }
0x72: {  	_ =	shalt  }
0x73: {  	_ =	shalt  }
0x74: {  	_ =	shalt  }
0x75: {  	_ =	shalt  }
0x76: {  	_ =	shalt  }
0x77: {  	_ =	shalt  }
0x78: {  	_ =	shalt  }
0x79: {  	_ =	shalt  }
0x7a: {  	_ =	shalt  }
0x7b: {  	_ =	shalt  }
0x7c: {  	_ =	shalt  }
0x7d: {  	_ =	shalt  }
0x7e: {  	_ =	shalt  }
0x7f: {  	_ =	shalt  }
0x80: {  	_ =	shalt  }
0x81: {  	_ =	shalt  }
0x82: {  	_ =	shalt  }
0x83: {  	_ =	shalt  }
0x84: {  	_ =	shalt  }
0x85: {  	_ =	shalt  }
0x86: {  	_ =	shalt  }
0x87: {  	_ =	shalt  }
.Lfunc_end0:
.L_simem_size_0:
called_computation_lowered:
.L_overlay_start_0:
0x88: {  	s2 =	sld [smem:$0x3FD9]  }
0x89: {  	s3 =	sld [smem:$0x3FFE];
	_ =	sdelay $0x1  }
0x8a: {  	s1 =	srdreg.scid  }
0x8b: {  	s0 =	sand.u32 $0x1, s1  }
0x8c: {  	s17 =	sshll.u32 s0, $0xA;
	s2 =	sadd.s32 s3, s2  }
0x8d: {  	s2 =	sadd.s32 s2, s17  }
0x8e: {  	[smem:$0x3FC6] =	sst s2  }
0x8f: {  	_ = 	snop  }
0x90: {  	s2 =	sld [smem:$0x3FD0];
	(tm) =	ssettm $0x1  }
0x91: {  	s18 =	sld [smem:$0x3FFB];
	_ =	sdelay $0x3  }
0x92: {  	_ =	strace s18  }
0x93: {  	s3 =	sld [smem:$0x3FFC];
	_ =	sdelay $0x3  }
0x94: {  	_ =	strace s3  }
0x95: {  	s3 =	sld [smem:$0x3FFD];
	_ =	sdelay $0x3  }
0x96: {  	_ =	strace s3  }
0x97: {  	_ =	strace $0x8FFFFFFF  }
0x98: {  	s19 =	sld [smem:$0x3FDB];
	_ =	sdelay $0x1  }
0x99: {  	s4 =	simm.s32 $_scs_section_size  }
0x9a: {  	s5 =	simm.s32 $_size__tile_overlayer_lowered;
	s6 =	simm.s32 $_tile_overlayer_lowered  }
0x9b: {  	s22 =	simm.s32 $0x1BFF;
	s21 =	sshll.u32 s6, $0x1;
	s3 =	sadd.s32 s4, s19  }
0x9c: {  	s7 =	simm.s32 $0x0;
	s20 =	sshll.u32 s5, $0x1;
	s5 =	sadd.s32 s21, s3  }
0x9d: {  	[timem:s7], [sflag:s22] =	dma.local [hbm:s5], s20  }
0x9e: {  	_ =	swait.ge [sflag:s22], s20  }
0x9f: {  	s4 =	ssub.s32 $0x0, s20;
	[sflag:s22] =	ssyncset.done $0x0  }
0xa0: {  	[sflag:s22] =	ssyncadd.s32 s4;
	_ =	sdelay $0x1  }
0xa1: {  	s23 =	simm.s32 $0x1B8B  }
0xa2: {  	_ =	swait.ge [sflag:s23], $0x1  }
0xa3: {  	[sflag:s23] =	ssyncset.done $0x0  }
0xa4: {  	s25 =	simm.s32 $0x1B8E;
	s24 =	sld [smem:$0x3FFE];
	[sflag:s23] =	ssyncadd.s32 $0xFFFFFFFF  }
0xa5: {  	s26 =	simm.s32 $execute0_lowered;
	[smem:$0x3FD2] =	sst s25  }
0xa6: {  	s5 =	sshll.u32 s26, $0x1;
	_ =	strace $0x80000046;
	[dreg:$0x1] =	wrdreg $0xFFFFFFFF  }
0xa7: {  	s28 =	simm.s32 $_size_execute0_lowered;
	s3 =	sadd.s32 s3, s5;
	[dreg:$0x0] =	wrdreg $0x0  }
0xa8: {  	s5 =	sshll.u32 s28, $0x1;
	[dreg:$0x2] =	wrdreg s3  }
0xa9: {  	[dreg:$0x3] =	wrdreg s5  }
0xaa: {  	[dreg:$0x4] =	wrdreg $0xC0  }
0xab: {  	_ =	task [dreg:s7], $0x5FFFF  }
0xac: {  	[dreg:$0x1] =	wrdreg $0xFFFFFFFF  }
0xad: {  	[dreg:$0x0] =	wrdreg $0x60  }
0xae: {  	[dreg:$0x2] =	wrdreg s24  }
0xaf: {  	[dreg:$0x3] =	wrdreg s2  }
0xb0: {  	[dreg:$0x4] =	wrdreg $0x9  }
0xb1: {  	_ =	task.clear_ibuf [dreg:s7], $0x5FFFF;
	_ =	strace $0x90000046  }
0xb2: {  	s29 =	simm.s32 $0x9;
	_ =	strace $0x80000048  }
0xb3: {  	_ =	swait.ge [sflag:s29], $0x1  }
0xb4: {  	[sflag:s29] =	ssyncadd.s32 $0xFFFFFFFF  }
0xb5: {  	_ =	strace $0x90000048  }
0xb6: {  	_ =	sfence  }
0xb7: {  	s30 =	sld [smem:$0x0];
	_ =	sdelay $0x2  }
0xb8: {  	s31 =	sshll.u32 s1, $0xD;
	s1 =	sshrl.u32 s1, $0x2  }
0xb9: {  	s3 =	sand.u32 $0x4000, s31;
	s1 =	sadd.s32 s1, s30  }
0xba: {  	s0 =	sor.u32 s3, s0;
	s1 =	sshll.u32 s1, $0x11  }
0xbb: {  	s0 =	sor.u32 s1, s0  }
0xbc: {  	s0 =	sadd.s32 $0x8F2B, s0  }
0xbd: {  	[sflag:s0] =	ssyncadd.remote.s32 $0x1  }
0xbe: {  	_ =	sfence.sel $0xFFFF  }
0xbf: {  	[dreg:$0x0] =	wrdreg $0xFFFFFFFF;
	(pc) =	sbr.abs _section_cstart, $3  }
0xc0: {  	[dreg:$0x1] =	wrdreg $0xFFFFFFFF  }
0xc1: {  	_ =	task.clear_ibuf [dreg:s7], $0x2FFFF;
	_ =	strace $0x9FFFFFFF  }
0xc2: {  	(tm) =	ssettm $0x7FFFFFFF  }
0xc3: {  	_ =	shalt  }
tec
execute0_lowered:
.L_overlay_start_1:
0x0: {  	(tag) =	ssettag $0x1  }
0x1: {  	s0 =	rddreg [dreg:$0x0]  }
0x2: {  	s1 =	rddreg [dreg:$0x1];
	s2 =	simm.s32 $0x0;
	s3 =	srdreg.scid  }
0x3: {  	s6 =	stileid.u32;
	s28 =	simm.s32 $0x10800;
	s29 =	simm.s32 $0x2  }
0x4: {  	[smem:$0x7FF] =	sst s2;
	s4 =	sadd.s32 $0xF42A00, s0;
	s5 =	sadd.s32 $0x600, s0  }
0x5: {  	s18 =	sand.u32 $0x1, s3;
	s12 =	sshll.u32 s6, $0x1;
	s19 =	sshll.u32 s6, $0x8  }
0x6: {  	v0 =	vimm.s32 $0x25B8;
	vm0 =	vcmask $0x300;
	v1 =	vimm.s32 $0x69B8;
	s11 =	sshll.u32 s6, $0x10;
	_ =	strace $0x80000047;
	s3 =	ssub.s32 $0x2, s18  }
0x7: {  	vm1 =	vcmask $0x704;
	v0 =	vsel vm0, $0x0, v0;
	v1 =	vsel vm0, $0x4400, v1;
	s9 =	sor.u32 s18, s12;
	s0 =	sand.u32 $0x800, s19;
	s25 =	sor.u32 $0x40, s12  }
0x8: {  	vm15 =	vcmask $0xB08;
	v0 =	vsel vm1, $0x88, v0;
	v1 =	vsel vm1, $0x4488, v1;
	s13 =	sand.u32 $0x80000, s11;
	s7 =	sshrl.u32 s3, $0x1;
	s8 =	sshll.u32 s9, $0x7  }
0x9: {  	vm4 =	vcmask $0xF0C;
	s20 =	sadd.s32 s5, s0;
	s21 =	sand.u32 $0xF, s9;
	v0 =	vsel vm15, $0x110, v0;
	v1 =	vsel vm15, $0x4510, v1;
	[dreg:$0x6] =	wrdreg s9  }
0xa: {  	vm5 =	vcmask $0x1310;
	s24 =	sshll.u32 s9, $0xD;
	s9 =	smov.u32 s12;
	[dreg:$0x5] =	wrdreg s25;
	v0 =	vsel vm4, $0x198, v0;
	v1 =	vsel vm4, $0x4598, v1  }
0xb: {  	vm6 =	vcmask $0x1714;
	s16 =	sor.u32 $0x1800000, s13;
	s14 =	sand.u32 $0x780, s8;
	s3 =	ssub.s32 s3, s7;
	v0 =	vsel vm5, $0x220, v0;
	v1 =	vsel vm5, $0x4620, v1  }
0xc: {  	vm7 =	vcmask $0x1B18;
	s23 =	sshll.u32 s21, $0x7;
	s26 =	sand.u32 $0x1E000, s24;
	s11 =	sor.u32 $0x20000, s24;
	v0 =	vsel vm6, $0x2A8, v0;
	v1 =	vsel vm6, $0x46A8, v1  }
0xd: {  	vm8 =	vcmask $0x1F1C;
	s13 =	sor.u32 $0x60000, s24;
	s30 =	sor.u32 s24, s16;
	s15 =	sshll.u32 s21, $0xD;
	v0 =	vsel vm7, $0x330, v0;
	v1 =	vsel vm7, $0x4730, v1  }
0xe: {  	vm9 =	vcmask $0x2320;
	p0 =	sne.s32 s21, $0x0;
	s22 =	sadd.s32 s14, s20;
	s7 =	sadd.s32 s5, s23;
	v0 =	vsel vm8, $0x3B8, v0;
	v1 =	vsel vm8, $0x47B8, v1  }
0xf: {  	vm10 =	vcmask $0x2724;
	s12 =	sor.u32 $0x40000, s26;
	s14 =	sadd.s32 s5, s14;
	s10 =	smov.u32 s26;
	v0 =	vsel vm9, $0x2200, v0;
	v1 =	vsel vm9, $0x6600, v1  }
0x10: {  	vm11 =	vcmask $0x2B28;
	s31 =	sor.u32 s16, s26;
	s5 =	sshrl.u32 s30, $0x3;
	s16 =	sor.u32 $0x40000, s15;
	v0 =	vsel vm10, $0x2288, v0;
	v1 =	vsel vm10, $0x6688, v1  }
0x11: {  	vm12 =	vcmask $0x2F2C;
	s3 =	smax.u32 s3, $0x1;
	s23 =	simm.s32 $0x400;
	[dreg:$0x3] =	wrdreg s22;
	v0 =	vsel vm11, $0x2310, v0;
	v1 =	vsel vm11, $0x6710, v1  }
0x12: {  	vm13 =	vcmask $0x3330;
	s26 =	simm.s32 $0x1;
	[dreg:$0x4] =	wrdreg s7;
	s7 =	sshrl.u32 s31, $0x3;
	v0 =	vsel vm12, $0x2398, v0;
	v1 =	vsel vm12, $0x6798, v1  }
0x13: {  	vm14 =	vcmask $0x3734;
	s18 =	sor.u32 $0x4000, s5;
	s5 =	sor.u32 $0xC000, s5;
	[dreg:$0x7] =	wrdreg s3;
	v0 =	vsel vm13, $0x2420, v0;
	v1 =	vsel vm13, $0x6820, v1  }
0x14: {  	vm15 =	vcmask $0x3B38;
	s22 =	simm.s32 $0x3;
	s3 =	simm.s32 $0x0;
	s17 =	sadd.s32 s1, s7;
	v0 =	vsel vm14, $0x24A8, v0;
	v1 =	vsel vm14, $0x68A8, v1  }
0x15: {  	s18 =	sadd.s32 s1, s18;
	s20 =	sadd.s32 s1, s5;
	s19 =	sadd.s32 $0x8000, s17;
	v0 =	vsel vm15, $0x2530, v0;
	v1 =	vsel vm15, $0x6930, v1  }
.LBB2_1:
0x16: {  	[dreg:$0x8] =	wrdreg s3  }
0x17: {  	s0 =	rddreg [dreg:$0x3]  }
0x18: {  	[tilespmem:s2], [sflag:$0x3] =	stream.linear.gather [hbm4b:s0+s2], $0x400, $0x38;
	[tilespmem:$0x19000] =	vst v63  }
0x19: {  	_ =	swait.ge [sflag:s22], $0x400  }
0x1a: {  	[sflag:s22] =	ssyncset.done $0x0  }
0x1b: {  	s30 =	simm.s32 $0x800;
	s31 =	simm.s32 $0x0;
	[sflag:s22] =	ssyncadd.s32 $0xFFFFFC00  }
0x1c: {  	[tilespmem:s30], [sflag:$0x1] =	stream.indirect.gather [hbm4b:s4+s23], $0x20, s2, s23, $0xb8;
	[tilespmem:$0x19000] =	vst v63  }
.LBB2_2:
0x1d: {  	s3 =	sshll.u32 s31, $0x6  }
0x1e: {  	s0 =	sor.u32 s3, s9  }
0x1f: {  	s0 =	sshrl.u32 s0, $0x4  }
0x20: {  	s0 =	sor.u32 $0x2, s0  }
0x21: {  	s6 =	rddreg [dreg:$0x4];
	s5 =	sshll.u32 s0, $0xB  }
0x22: {  	s7 =	simm.s32 $0x0;
	s21 =	simm.s32 $0x0;
	s5 =	sadd.s32 s5, s6  }
0x23: {  	[tilespmem:s23], [sflag:$0x3] =	stream.linear.gather [hbm4b:s5+s7], $0x400, $0x38;
	[tilespmem:$0x19000] =	vst v63  }
0x24: {  	s24 =	simm.s32 $0x2;
	s25 =	simm.s32 $0x3;
	s5 =	sand.u32 $0x38, s21  }
0x25: {  	s8 =	simm.s32 $0x5;
	v4 =	vmov s24;
	v6 =	vmov s25;
	v2 =	vmov s5  }
0x26: {  	v8 =	vmov s7;
	v22 =	vmov s8;
	_ =	swait.ge [sflag:s22], $0x400;
	v2 =	vmul.u32 $0x88, v2  }
0x27: {  	s24 =	simm.s32 $0x6;
	s25 =	simm.s32 $0x4;
	v7 =	vand.u32 $0x78, v6;
	v6 =	vand.u32 $0x7, v6;
	v9 =	vand.u32 $0x6, v4;
	[sflag:s22] =	ssyncset.done $0x0  }
0x28: {  	v10 =	vand.u32 $0x78, v4;
	v12 =	vand.u32 $0x78, v8;
	s6 =	simm.s32 $0x8800;
	s21 =	simm.s32 $0x1;
	[sflag:s22] =	ssyncadd.s32 $0xFFFFFC00;
	v2 =	vbroadcast v2, $0x0  }
0x29: {  	v26 =	vand.u32 $0x4, v8;
	v21 =	vmov s24;
	v3 =	vmov s21;
	[tilespmem:s6], [sflag:$0x2] =	stream.indirect.gather [hbm4b:s4+s23], $0x20, s23, s23, $0xb8;
	[tilespmem:$0x19000] =	vst v63  }
0x2a: {  	v23 =	vmov s25;
	v11 =	vand.u32 $0x78, v3;
	_ =	swait.ge [sflag:s26], $0x8000;
	v4 =	vadd.s32 v0, v2  }
0x2b: {  	v5 =	vand.u32 $0x5, v3;
	[sflag:s26] =	ssyncset.done $0x0;
	v20 =	vadd.s32 v1, v2;
	v3 =	vadd.s32 v11, v4  }
0x2c: {  	s7 =	simm.s32 $0x0;
	s21 =	simm.s32 $0x840;
	v13 =	vadd.s32 v10, v4;
	v14 =	vadd.s32 v7, v4;
	[sflag:s26] =	ssyncadd.s32 $0xFFFF8000;
	v17 =	vadd.s32 v12, v4  }
0x2d: {  	s5 =	sand.u32 $0x38, s7;
	v2 =	vadd.s32 v7, v20;
	v18 =	vor.u32 v9, v13;
	v13 =	vor.u32 v6, v14;
	v19 =	vld [tilespmem:s21+$0x20]  }
0x2e: {  	s24 =	simm.s32 $0x7;
	v4 =	vmov s5;
	v12 =	vadd.s32 v12, v20;
	v16 =	vor.u32 v5, v3;
	v24 =	vld [tilespmem:s21+$0xFFFFFFE0]  }
0x2f: {  	v11 =	vadd.s32 v11, v20;
	v3 =	vand.u32 $0x5, v22;
	v14 =	vmov s24;
	v27 =	vld [tilespmem:s21+$0x0]  }
0x30: {  	s7 =	simm.s32 $0x8C0;
	v4 =	vmul.u32 $0x88, v4;
	v8 =	vor.u32 v6, v2;
	v12 =	vor.u32 v26, v12  }
0x31: {  	v6 =	vld [tilespmem:s7+$0xFFFFFFE0];
	v7 =	vand.u32 $0x78, v14;
	v2 =	vand.u32 $0x7, v14;
	v14 =	vor.u32 v5, v11  }
0x32: {  	v5 =	vand.u32 $0x78, v21;
	v11 =	vadd.s32 v10, v20;
	v20 =	vld [tilespmem:s7+$0x20];
	v15 =	vbroadcast v4, $0x0;
	[tilespmem:v13+s28+$0x0] =	vst.idx.msk $0xffff, v19  }
0x33: {  	v10 =	vand.u32 $0x78, v23;
	v4 =	vand.u32 $0x6, v21;
	v21 =	vor.u32 v26, v17;
	v19 =	vld [tilespmem:s21+$0xFFFFFFC0];
	[tilespmem:v16+s28+$0x0] =	vst.idx.msk $0xffff, v24  }
0x34: {  	v11 =	vor.u32 v9, v11;
	v25 =	vadd.s32 v0, v15;
	v13 =	vand.u32 $0x78, v22;
	[tilespmem:v18+s28+$0x0] =	vst.idx.msk $0xffff, v27;
	v24 =	vld [tilespmem:s21+$0xFFFFFFF0]  }
0x35: {  	v9 =	vadd.s32 v5, v25;
	v22 =	vadd.s32 v7, v25;
	v17 =	vld [tilespmem:s21+$0x30];
	v16 =	vadd.s32 v13, v25  }
0x36: {  	s30 =	simm.s32 $0x940;
	s25 =	simm.s32 $0x8;
	v9 =	vor.u32 v4, v9;
	v22 =	vor.u32 v2, v22;
	v18 =	vor.u32 v3, v16;
	v16 =	vld [tilespmem:s21+$0x10]  }
.LBB2_3:
0x37: {  	s5 =	sshrl.u32 s25, $0x4  }
0x38: {  	s24 =	sadd.s32 $0x1, s25;
	v26 =	vld [tilespmem:s30+$0xFFFFFFE0];
	s6 =	sadd.s32 $0x2, s25;
	v27 =	vand.u32 $0x4, v23;
	v25 =	vadd.s32 v10, v25;
	v28 =	vadd.s32 v1, v15;
	[tilespmem:v21+s28+$0x0] =	vst.idx.msk $0xffff, v19;
	s8 =	smov.u32 s25  }
0x39: {  	s5 =	sand.u32 $0x38, s5;
	v29 =	vmov s24;
	v21 =	vmov s6;
	s6 =	sadd.s32 $0x3, s8;
	s24 =	sadd.s32 $0x4, s25;
	v15 =	vadd.s32 v7, v28;
	v30 =	vld [tilespmem:s21+$0xFFFFFFD0];
	[tilespmem:v14+s28+$0x0] =	vst.idx.msk $0xffff, v24  }
0x3a: {  	p1 =	slt.u32 s25, $0x3FC;
	s21 =	smov.u32 s7;
	s7 =	smov.u32 s30;
	v7 =	vmov s5;
	v24 =	vand.u32 $0x5, v29;
	v14 =	vmov s6;
	[tilespmem:v8+s28+$0x0] =	vst.idx.msk $0xffff, v17  }
0x3b: {  	v8 =	vor.u32 v2, v15;
	v17 =	vmul.u32 $0x88, v7;
	v7 =	vand.u32 $0x78, v14;
	v31 =	vld [tilespmem:s21+$0x0];
	[tilespmem:v11+s28+$0x0] =	vst.idx.msk $0xffff, v16  }
0x3c: {  	v32 =	vadd.s32 v10, v28;
	v10 =	vadd.s32 v13, v28;
	v2 =	vand.u32 $0x7, v14;
	[tilespmem:v22+s28+$0x0] =	vst.idx.msk $0xffff, v20  }
0x3d: {  	v14 =	vor.u32 v3, v10;
	v20 =	vand.u32 $0x6, v21;
	v15 =	vbroadcast v17, $0x0;
	v19 =	vld [tilespmem:s21+$0xFFFFFFC0];
	[tilespmem:v18+s28+$0x0] =	vst.idx.msk $0xffff, v6;
	v6 =	vmovc v26  }
.Ltmp0:
0x3e: {  	v23 =	vmov s8;
	v10 =	vand.u32 $0x78, v21;
	v3 =	vmovc v24;
	v21 =	vor.u32 v27, v25;
	v17 =	vld [tilespmem:s21+$0x30];
	[tilespmem:v12+s28+$0x0] =	vst.idx.msk $0xffff, v30;
	(pc) =	sbr.rel @p1 .LBB2_3-.Ltmp0, $4  }
0x3f: {  	v13 =	vand.u32 $0x78, v29;
	v11 =	vadd.s32 v5, v28;
	v5 =	vmovc v10;
	v25 =	vadd.s32 v0, v15;
	v24 =	vld [tilespmem:s21+$0xFFFFFFF0]  }
0x40: {  	v10 =	vand.u32 $0x78, v23;
	v11 =	vor.u32 v4, v11;
	v12 =	vadd.s32 v13, v25;
	[tilespmem:v9+s28+$0x0] =	vst.idx.msk $0xffff, v31  }
0x41: {  	v4 =	vmovc v20;
	v9 =	vadd.s32 v5, v25;
	v18 =	vor.u32 v3, v12;
	v12 =	vadd.s32 v7, v25;
	v16 =	vld [tilespmem:s21+$0x10]  }
0x42: {  	s30 =	sadd.s32 $0x80, s30;
	s25 =	smov.u32 s24;
	v9 =	vor.u32 v4, v9;
	v20 =	vld [tilespmem:s7+$0x20];
	v22 =	vor.u32 v2, v12;
	v12 =	vor.u32 v27, v32  }
0x43: {  	_ =	sdelay $0x3  }
0x44: {  	[tilespmem:v21+s28+$0x0] =	vst.idx.msk $0xffff, v19  }
0x45: {  	[tilespmem:v8+s28+$0x0] =	vst.idx.msk $0xffff, v17  }
0x46: {  	v23 =	vand.u32 $0x4, v23;
	v25 =	vadd.s32 v10, v25;
	v54 =	vld [tilespmem:s7+$0x0];
	[tilespmem:v14+s28+$0x0] =	vst.idx.msk $0xffff, v24  }
0x47: {  	v55 =	vld [tilespmem:s7+$0xFFFFFFC0];
	v56 =	vor.u32 v23, v25;
	s5 =	rddreg [dreg:$0x6]  }
0x48: {  	v15 =	vadd.s32 v1, v15;
	s5 =	sor.u32 s5, s3  }
0x49: {  	v57 =	vld [tilespmem:s21+$0xFFFFFFD0];
	v13 =	vadd.s32 v13, v15;
	[tilespmem:v18+s28+$0x0] =	vst.idx.msk $0xffff, v6;
	p1 =	seq.s32 s5, $0x0  }
0x4a: {  	v58 =	vadd.s32 v7, v15;
	v3 =	vor.u32 v3, v13;
	v59 =	vld [tilespmem:s7+$0xFFFFFFF0];
	[tilespmem:v22+s28+$0x0] =	vst.idx.msk $0xffff, v20;
	p1 =	por !p0, !p1  }
0x4b: {  	s6 =	simm.s32 $0x1;
	v5 =	vadd.s32 v5, v15;
	v2 =	vor.u32 v2, v58;
	v60 =	vld [tilespmem:s7+$0x30];
	[tilespmem:v9+s28+$0x0] =	vst.idx.msk $0xffff, v54;
	p1 =	por !p1, !p1  }
0x4c: {  	v61 =	vadd.s32 v10, v15;
	v4 =	vor.u32 v4, v5;
	s5 =	sshrl.u32 s5, $0x4;
	v62 =	vld [tilespmem:s7+$0x10];
	[tilespmem:v56+s28+$0x0] =	vst.idx.msk $0xffff, v55;
	s6 =	simm.s32 @!p1 $0x0  }
0x4d: {  	[tilespmem:v11+s28+$0x0] =	vst.idx.msk $0xffff, v16;
	v9 =	vor.u32 v23, v61;
	v63 =	vld [tilespmem:s7+$0xFFFFFFD0];
	s5 =	ssub.s32 s5, s6  }
0x4e: {  	[tilespmem:v12+s28+$0x0] =	vst.idx.msk $0xffff, v57;
	s7 =	sshll.u32 s5, $0x13  }
0x4f: {  	[tilespmem:v3+s28+$0x0] =	vst.idx.msk $0xffff, v59;
	s5 =	sor.u32 s10, s7  }
0x50: {  	[tilespmem:v2+s28+$0x0] =	vst.idx.msk $0xffff, v60;
	s5 =	sshrl.u32 s5, $0x3  }
0x51: {  	s25 =	simm.s32 $0x10800;
	[tilespmem:v4+s28+$0x0] =	vst.idx.msk $0xffff, v62;
	s21 =	sadd.s32 s1, s5  }
0x52: {  	s30 =	simm.s32 $0x10;
	s24 =	simm.s32 $0x10888;
	[tilespmem:v9+s28+$0x0] =	vst.idx.msk $0xffff, v63;
	s5 =	sadd.s32 $0x0, s21  }
.LBB2_5:
0x53: {  	[hbm4b:s5+s2] =	stream.linear.scatter [tilespmem:s25], [sflag:$0x3], $0x80, $0x38;
	[tilespmem:$0x19000] =	vst v63  }
0x54: {  	s5 =	smov.u32 s30;
	s25 =	smov.u32 s24;
	p1 =	sne.s32 s30, $0x3F0  }
.Ltmp1:
0x55: {  	s30 =	sadd.s32 $0x10, s30;
	(pc) =	sbr.rel @p1 .LBB2_5-.Ltmp1, $2  }
0x56: {  	_ =	sdelay $0x2  }
0x57: {  	s24 =	sadd.s32 $0x88, s24;
	s5 =	sadd.s32 s5, s21  }
0x58: {  	[hbm4b:s5+s2] =	stream.linear.scatter [tilespmem:s25], [sflag:$0x3], $0x80, $0x38;
	[tilespmem:$0x19000] =	vst v63  }
0x59: {  	s25 =	sor.u32 s11, s7  }
0x5a: {  	s30 =	simm.s32 $0x10;
	_ =	swait.ge [sflag:s22], $0x2000;
	s5 =	sshrl.u32 s25, $0x3  }
0x5b: {  	s24 =	simm.s32 $0x12A88;
	[sflag:s22] =	ssyncset.done $0x0;
	s21 =	sadd.s32 s1, s5  }
0x5c: {  	s25 =	simm.s32 $0x12A00;
	[sflag:s22] =	ssyncadd.s32 $0xFFFFE000;
	s5 =	sadd.s32 $0x0, s21  }
.LBB2_7:
0x5d: {  	[hbm4b:s5+s2] =	stream.linear.scatter [tilespmem:s25], [sflag:$0x3], $0x80, $0x38;
	[tilespmem:$0x19000] =	vst v63  }
0x5e: {  	s5 =	smov.u32 s30;
	s25 =	smov.u32 s24;
	p1 =	sne.s32 s30, $0x3F0  }
.Ltmp2:
0x5f: {  	s30 =	sadd.s32 $0x10, s30;
	(pc) =	sbr.rel @p1 .LBB2_7-.Ltmp2, $2  }
0x60: {  	_ =	sdelay $0x2  }
0x61: {  	s24 =	sadd.s32 $0x88, s24;
	s5 =	sadd.s32 s5, s21  }
0x62: {  	[hbm4b:s5+s2] =	stream.linear.scatter [tilespmem:s25], [sflag:$0x3], $0x80, $0x38;
	[tilespmem:$0x19000] =	vst v63  }
0x63: {  	s25 =	sor.u32 s12, s7  }
0x64: {  	s30 =	simm.s32 $0x10;
	_ =	swait.ge [sflag:s22], $0x2000;
	s5 =	sshrl.u32 s25, $0x3  }
0x65: {  	s24 =	simm.s32 $0x14C88;
	[sflag:s22] =	ssyncset.done $0x0;
	s21 =	sadd.s32 s1, s5  }
0x66: {  	s25 =	simm.s32 $0x14C00;
	[sflag:s22] =	ssyncadd.s32 $0xFFFFE000;
	s5 =	sadd.s32 $0x0, s21  }
.LBB2_9:
0x67: {  	[hbm4b:s5+s2] =	stream.linear.scatter [tilespmem:s25], [sflag:$0x3], $0x80, $0x38;
	[tilespmem:$0x19000] =	vst v63  }
0x68: {  	s5 =	smov.u32 s30;
	s25 =	smov.u32 s24;
	p1 =	sne.s32 s30, $0x3F0  }
.Ltmp3:
0x69: {  	s30 =	sadd.s32 $0x10, s30;
	(pc) =	sbr.rel @p1 .LBB2_9-.Ltmp3, $2  }
0x6a: {  	_ =	sdelay $0x2  }
0x6b: {  	s24 =	sadd.s32 $0x88, s24;
	s5 =	sadd.s32 s5, s21  }
0x6c: {  	[hbm4b:s5+s2] =	stream.linear.scatter [tilespmem:s25], [sflag:$0x3], $0x80, $0x38;
	[tilespmem:$0x19000] =	vst v63  }
0x6d: {  	s30 =	sor.u32 s13, s7  }
0x6e: {  	s21 =	simm.s32 $0x16E00;
	_ =	swait.ge [sflag:s22], $0x2000;
	s5 =	sshrl.u32 s30, $0x3  }
0x6f: {  	s25 =	simm.s32 $0x10;
	[sflag:s22] =	ssyncset.done $0x0;
	s7 =	sadd.s32 s1, s5  }
0x70: {  	s24 =	simm.s32 $0x16E88;
	[sflag:s22] =	ssyncadd.s32 $0xFFFFE000;
	s5 =	sadd.s32 $0x0, s7  }
.LBB2_11:
0x71: {  	[hbm4b:s5+s2] =	stream.linear.scatter [tilespmem:s21], [sflag:$0x3], $0x80, $0x38;
	[tilespmem:$0x19000] =	vst v63  }
0x72: {  	s5 =	smov.u32 s25;
	s21 =	smov.u32 s24;
	p1 =	sne.s32 s25, $0x3F0  }
.Ltmp4:
0x73: {  	s25 =	sadd.s32 $0x10, s25;
	(pc) =	sbr.rel @p1 .LBB2_11-.Ltmp4, $2  }
0x74: {  	_ =	sdelay $0x2  }
0x75: {  	s24 =	sadd.s32 $0x88, s24;
	s5 =	sadd.s32 s5, s7  }
0x76: {  	[hbm4b:s5+s2] =	stream.linear.scatter [tilespmem:s21], [sflag:$0x3], $0x80, $0x38;
	[tilespmem:$0x19000] =	vst v63  }
0x77: {  	s21 =	rddreg [dreg:$0x5]  }
0x78: {  	s24 =	simm.s32 $0x0;
	s25 =	simm.s32 $0x0;
	s3 =	sadd.s32 s21, s3  }
0x79: {  	s6 =	simm.s32 $0x1;
	_ =	swait.ge [sflag:s22], $0x2000;
	s3 =	sshll.u32 s3, $0x7  }
0x7a: {  	s30 =	simm.s32 $0x2;
	[sflag:s22] =	ssyncset.done $0x0;
	s3 =	sand.u32 $0x3E800, s3  }
0x7b: {  	s7 =	simm.s32 $0x3;
	[sflag:s22] =	ssyncadd.s32 $0xFFFFE000;
	s3 =	sadd.s32 s3, s14  }
0x7c: {  	[tilespmem:s24], [sflag:$0x3] =	stream.linear.gather [hbm4b:s3+s24], $0x400, $0x38;
	[tilespmem:$0x19000] =	vst v63  }
0x7d: {  	v3 =	vmov s6;
	v4 =	vmov s30;
	v6 =	vmov s7;
	s3 =	sand.u32 $0x38, s25;
	_ =	swait.ge [sflag:s22], $0x400  }
0x7e: {  	v8 =	vmov s24;
	v5 =	vand.u32 $0x5, v3;
	v2 =	vmov s3;
	[sflag:s22] =	ssyncset.done $0x0  }
0x7f: {  	s8 =	simm.s32 $0x800;
	v7 =	vand.u32 $0x78, v6;
	v6 =	vand.u32 $0x7, v6;
	v2 =	vmul.u32 $0x88, v2;
	[sflag:s22] =	ssyncadd.s32 $0xFFFFFC00  }
0x80: {  	v9 =	vand.u32 $0x6, v4;
	v10 =	vand.u32 $0x78, v4;
	v11 =	vand.u32 $0x78, v3;
	[tilespmem:s8], [sflag:$0x1] =	stream.indirect.gather [hbm4b:s4+s23], $0x20, s24, s23, $0xb8;
	[tilespmem:$0x19000] =	vst v63  }
0x81: {  	s7 =	simm.s32 $0x6;
	v12 =	vand.u32 $0x78, v8;
	v26 =	vand.u32 $0x4, v8;
	s25 =	simm.s32 $0x7;
	v2 =	vbroadcast v2, $0x0;
	s24 =	simm.s32 $0x5  }
0x82: {  	v20 =	vmov s7;
	v15 =	vmov s25;
	_ =	swait.ge [sflag:s29], $0x8000;
	v21 =	vmov s24  }
0x83: {  	s21 =	simm.s32 $0x0;
	v4 =	vadd.s32 v0, v2;
	[sflag:s29] =	ssyncset.done $0x0;
	v18 =	vadd.s32 v1, v2;
	v2 =	vand.u32 $0x5, v21  }
0x84: {  	s5 =	sand.u32 $0x38, s21;
	s3 =	simm.s32 $0x8840;
	v3 =	vadd.s32 v11, v4;
	v13 =	vadd.s32 v10, v4;
	v14 =	vadd.s32 v7, v4;
	[sflag:s29] =	ssyncadd.s32 $0xFFFF8000  }
0x85: {  	v17 =	vadd.s32 v12, v4;
	v4 =	vmov s5;
	v14 =	vor.u32 v6, v14;
	v19 =	vld [tilespmem:s3+$0x20]  }
0x86: {  	v27 =	vadd.s32 v12, v18;
	v11 =	vadd.s32 v11, v18;
	v16 =	vor.u32 v5, v3;
	v23 =	vld [tilespmem:s3+$0xFFFFFFE0]  }
0x87: {  	v13 =	vor.u32 v9, v13;
	v3 =	vadd.s32 v7, v18;
	v4 =	vmul.u32 $0x88, v4;
	v24 =	vld [tilespmem:s3+$0x0]  }
0x88: {  	s7 =	simm.s32 $0x88C0;
	v7 =	vand.u32 $0x78, v15;
	v12 =	vor.u32 v5, v11;
	v11 =	vand.u32 $0x78, v21  }
0x89: {  	v21 =	vld [tilespmem:s7+$0x20];
	v8 =	vor.u32 v6, v3;
	v3 =	vand.u32 $0x7, v15;
	v15 =	vbroadcast v4, $0x0  }
0x8a: {  	s30 =	simm.s32 $0x4;
	v5 =	vand.u32 $0x78, v20;
	v6 =	vld [tilespmem:s7+$0xFFFFFFE0];
	v4 =	vand.u32 $0x6, v20;
	v20 =	vor.u32 v26, v17;
	[tilespmem:v14+s28+$0x0] =	vst.idx.msk $0xffff, v19  }
0x8b: {  	v22 =	vmov s30;
	v25 =	vadd.s32 v0, v15;
	v19 =	vld [tilespmem:s3+$0xFFFFFFC0];
	[tilespmem:v16+s28+$0x0] =	vst.idx.msk $0xffff, v23;
	v14 =	vadd.s32 v10, v18  }
0x8c: {  	v10 =	vand.u32 $0x78, v22;
	v17 =	vadd.s32 v11, v25;
	[tilespmem:v13+s28+$0x0] =	vst.idx.msk $0xffff, v24;
	v23 =	vld [tilespmem:s3+$0xFFFFFFF0];
	v13 =	vor.u32 v9, v14  }
0x8d: {  	v16 =	vld [tilespmem:s3+$0x30];
	v17 =	vor.u32 v2, v17;
	v9 =	vadd.s32 v5, v25;
	v14 =	vadd.s32 v7, v25  }
0x8e: {  	s21 =	simm.s32 $0x8940;
	s25 =	simm.s32 $0x8;
	v18 =	vld [tilespmem:s3+$0x10];
	v9 =	vor.u32 v4, v9;
	v24 =	vor.u32 v3, v14;
	v14 =	vor.u32 v26, v27  }
.LBB2_13:
0x8f: {  	s5 =	sshrl.u32 s25, $0x4  }
0x90: {  	s6 =	sadd.s32 $0x1, s25;
	v26 =	vld [tilespmem:s21+$0xFFFFFFE0];
	s8 =	sadd.s32 $0x2, s25;
	v27 =	vand.u32 $0x4, v22;
	v25 =	vadd.s32 v10, v25;
	v28 =	vadd.s32 v1, v15;
	[tilespmem:v20+s28+$0x0] =	vst.idx.msk $0xffff, v19;
	s24 =	smov.u32 s25  }
0x91: {  	s5 =	sand.u32 $0x38, s5;
	v29 =	vmov s6;
	v20 =	vmov s8;
	s6 =	sadd.s32 $0x3, s24;
	s8 =	sadd.s32 $0x4, s25;
	v15 =	vadd.s32 v7, v28;
	v30 =	vld [tilespmem:s3+$0xFFFFFFD0];
	[tilespmem:v12+s28+$0x0] =	vst.idx.msk $0xffff, v23  }
0x92: {  	p1 =	slt.u32 s25, $0x3FC;
	s3 =	smov.u32 s7;
	s7 =	smov.u32 s21;
	v7 =	vmov s5;
	v23 =	vand.u32 $0x5, v29;
	v12 =	vmov s6;
	[tilespmem:v8+s28+$0x0] =	vst.idx.msk $0xffff, v16  }
0x93: {  	v8 =	vor.u32 v3, v15;
	v16 =	vmul.u32 $0x88, v7;
	v7 =	vand.u32 $0x78, v12;
	v31 =	vld [tilespmem:s3+$0x0];
	[tilespmem:v13+s28+$0x0] =	vst.idx.msk $0xffff, v18  }
0x94: {  	v32 =	vadd.s32 v10, v28;
	v10 =	vadd.s32 v11, v28;
	v3 =	vand.u32 $0x7, v12;
	[tilespmem:v24+s28+$0x0] =	vst.idx.msk $0xffff, v21  }
0x95: {  	v12 =	vor.u32 v2, v10;
	v21 =	vand.u32 $0x6, v20;
	v15 =	vbroadcast v16, $0x0;
	v19 =	vld [tilespmem:s3+$0xFFFFFFC0];
	[tilespmem:v17+s28+$0x0] =	vst.idx.msk $0xffff, v6;
	v6 =	vmovc v26  }
.Ltmp5:
0x96: {  	v22 =	vmov s24;
	v10 =	vand.u32 $0x78, v20;
	v2 =	vmovc v23;
	v20 =	vor.u32 v27, v25;
	v16 =	vld [tilespmem:s3+$0x30];
	[tilespmem:v14+s28+$0x0] =	vst.idx.msk $0xffff, v30;
	(pc) =	sbr.rel @p1 .LBB2_13-.Ltmp5, $4  }
0x97: {  	v11 =	vand.u32 $0x78, v29;
	v13 =	vadd.s32 v5, v28;
	v5 =	vmovc v10;
	v25 =	vadd.s32 v0, v15;
	v23 =	vld [tilespmem:s3+$0xFFFFFFF0]  }
0x98: {  	v10 =	vand.u32 $0x78, v22;
	v13 =	vor.u32 v4, v13;
	v14 =	vadd.s32 v11, v25;
	[tilespmem:v9+s28+$0x0] =	vst.idx.msk $0xffff, v31  }
0x99: {  	v4 =	vmovc v21;
	v9 =	vadd.s32 v5, v25;
	v17 =	vor.u32 v2, v14;
	v14 =	vadd.s32 v7, v25;
	v18 =	vld [tilespmem:s3+$0x10]  }
0x9a: {  	s21 =	sadd.s32 $0x80, s21;
	s25 =	smov.u32 s8;
	v9 =	vor.u32 v4, v9;
	v21 =	vld [tilespmem:s7+$0x20];
	v24 =	vor.u32 v3, v14;
	v14 =	vor.u32 v27, v32  }
0x9b: {  	_ =	sdelay $0x3  }
0x9c: {  	v22 =	vand.u32 $0x4, v22;
	v25 =	vadd.s32 v10, v25;
	[tilespmem:v20+s28+$0x0] =	vst.idx.msk $0xffff, v19;
	v54 =	vld [tilespmem:s7+$0x0]  }
0x9d: {  	v55 =	vld [tilespmem:s7+$0xFFFFFFC0];
	[tilespmem:v8+s28+$0x0] =	vst.idx.msk $0xffff, v16;
	v56 =	vor.u32 v22, v25  }
0x9e: {  	v15 =	vadd.s32 v1, v15;
	[tilespmem:v17+s28+$0x0] =	vst.idx.msk $0xffff, v6  }
0x9f: {  	[tilespmem:v12+s28+$0x0] =	vst.idx.msk $0xffff, v23;
	v57 =	vld [tilespmem:s3+$0xFFFFFFD0];
	v11 =	vadd.s32 v11, v15  }
0xa0: {  	v58 =	vadd.s32 v7, v15;
	v59 =	vld [tilespmem:s7+$0xFFFFFFF0];
	v2 =	vor.u32 v2, v11;
	[tilespmem:v24+s28+$0x0] =	vst.idx.msk $0xffff, v21  }
0xa1: {  	v5 =	vadd.s32 v5, v15;
	v3 =	vor.u32 v3, v58;
	v60 =	vld [tilespmem:s7+$0x30];
	[tilespmem:v9+s28+$0x0] =	vst.idx.msk $0xffff, v54  }
0xa2: {  	v61 =	vadd.s32 v10, v15;
	v4 =	vor.u32 v4, v5;
	v62 =	vld [tilespmem:s7+$0x10];
	[tilespmem:v56+s28+$0x0] =	vst.idx.msk $0xffff, v55  }
0xa3: {  	[tilespmem:v13+s28+$0x0] =	vst.idx.msk $0xffff, v18;
	v9 =	vor.u32 v22, v61;
	v63 =	vld [tilespmem:s7+$0xFFFFFFD0]  }
0xa4: {  	s0 =	sshll.u32 s0, $0x13;
	[tilespmem:v14+s28+$0x0] =	vst.idx.msk $0xffff, v57  }
0xa5: {  	s30 =	sor.u32 s15, s0;
	[tilespmem:v2+s28+$0x0] =	vst.idx.msk $0xffff, v59  }
0xa6: {  	s3 =	sshrl.u32 s30, $0x3;
	[tilespmem:v3+s28+$0x0] =	vst.idx.msk $0xffff, v60  }
0xa7: {  	s21 =	simm.s32 $0x10;
	s3 =	sadd.s32 s1, s3;
	[tilespmem:v4+s28+$0x0] =	vst.idx.msk $0xffff, v62  }
0xa8: {  	s24 =	simm.s32 $0x10888;
	s5 =	sadd.s32 $0x0, s3;
	s7 =	simm.s32 $0x10800;
	[tilespmem:v9+s28+$0x0] =	vst.idx.msk $0xffff, v63  }
.LBB2_15:
0xa9: {  	[hbm4b:s5+s2] =	stream.linear.scatter [tilespmem:s7], [sflag:$0x3], $0x80, $0x38;
	[tilespmem:$0x19000] =	vst v63  }
0xaa: {  	s5 =	smov.u32 s21;
	s7 =	smov.u32 s24;
	p1 =	sne.s32 s21, $0x3F0  }
.Ltmp6:
0xab: {  	s21 =	sadd.s32 $0x10, s21;
	(pc) =	sbr.rel @p1 .LBB2_15-.Ltmp6, $2  }
0xac: {  	_ =	sdelay $0x2  }
0xad: {  	s24 =	sadd.s32 $0x88, s24;
	s5 =	sadd.s32 s5, s3  }
0xae: {  	[hbm4b:s5+s2] =	stream.linear.scatter [tilespmem:s7], [sflag:$0x3], $0x80, $0x38;
	[tilespmem:$0x19000] =	vst v63  }
0xaf: {  	s3 =	sor.u32 s11, s0  }
0xb0: {  	s7 =	simm.s32 $0x12A00;
	_ =	swait.ge [sflag:s22], $0x2000;
	s3 =	sshrl.u32 s3, $0x3  }
0xb1: {  	s21 =	simm.s32 $0x10;
	[sflag:s22] =	ssyncset.done $0x0;
	s3 =	sadd.s32 s1, s3  }
0xb2: {  	s24 =	simm.s32 $0x12A88;
	[sflag:s22] =	ssyncadd.s32 $0xFFFFE000;
	s5 =	sadd.s32 $0x0, s3  }
.LBB2_17:
0xb3: {  	[hbm4b:s5+s2] =	stream.linear.scatter [tilespmem:s7], [sflag:$0x3], $0x80, $0x38;
	[tilespmem:$0x19000] =	vst v63  }
0xb4: {  	s5 =	smov.u32 s21;
	s7 =	smov.u32 s24;
	p1 =	sne.s32 s21, $0x3F0  }
.Ltmp7:
0xb5: {  	s21 =	sadd.s32 $0x10, s21;
	(pc) =	sbr.rel @p1 .LBB2_17-.Ltmp7, $2  }
0xb6: {  	_ =	sdelay $0x2  }
0xb7: {  	s24 =	sadd.s32 $0x88, s24;
	s5 =	sadd.s32 s5, s3  }
0xb8: {  	[hbm4b:s5+s2] =	stream.linear.scatter [tilespmem:s7], [sflag:$0x3], $0x80, $0x38;
	[tilespmem:$0x19000] =	vst v63  }
0xb9: {  	s3 =	sor.u32 s16, s0  }
0xba: {  	s7 =	simm.s32 $0x14C00;
	_ =	swait.ge [sflag:s22], $0x2000;
	s3 =	sshrl.u32 s3, $0x3  }
0xbb: {  	s21 =	simm.s32 $0x10;
	[sflag:s22] =	ssyncset.done $0x0;
	s3 =	sadd.s32 s1, s3  }
0xbc: {  	s24 =	simm.s32 $0x14C88;
	[sflag:s22] =	ssyncadd.s32 $0xFFFFE000;
	s5 =	sadd.s32 $0x0, s3  }
.LBB2_19:
0xbd: {  	[hbm4b:s5+s2] =	stream.linear.scatter [tilespmem:s7], [sflag:$0x3], $0x80, $0x38;
	[tilespmem:$0x19000] =	vst v63  }
0xbe: {  	s5 =	smov.u32 s21;
	s7 =	smov.u32 s24;
	p1 =	sne.s32 s21, $0x3F0  }
.Ltmp8:
0xbf: {  	s21 =	sadd.s32 $0x10, s21;
	(pc) =	sbr.rel @p1 .LBB2_19-.Ltmp8, $2  }
0xc0: {  	_ =	sdelay $0x2  }
0xc1: {  	s24 =	sadd.s32 $0x88, s24;
	s5 =	sadd.s32 s5, s3  }
0xc2: {  	[hbm4b:s5+s2] =	stream.linear.scatter [tilespmem:s7], [sflag:$0x3], $0x80, $0x38;
	[tilespmem:$0x19000] =	vst v63  }
0xc3: {  	s0 =	sor.u32 s13, s0  }
0xc4: {  	s3 =	simm.s32 $0x16E00;
	_ =	swait.ge [sflag:s22], $0x2000;
	s0 =	sshrl.u32 s0, $0x3  }
0xc5: {  	s7 =	simm.s32 $0x10;
	[sflag:s22] =	ssyncset.done $0x0;
	s0 =	sadd.s32 s1, s0  }
0xc6: {  	s21 =	simm.s32 $0x16E88;
	[sflag:s22] =	ssyncadd.s32 $0xFFFFE000;
	s5 =	sadd.s32 $0x0, s0  }
.LBB2_21:
0xc7: {  	[hbm4b:s5+s2] =	stream.linear.scatter [tilespmem:s3], [sflag:$0x3], $0x80, $0x38;
	[tilespmem:$0x19000] =	vst v63  }
0xc8: {  	s5 =	smov.u32 s7;
	s3 =	smov.u32 s21;
	p1 =	sne.s32 s7, $0x3F0  }
.Ltmp9:
0xc9: {  	s7 =	sadd.s32 $0x10, s7;
	(pc) =	sbr.rel @p1 .LBB2_21-.Ltmp9, $2  }
0xca: {  	_ =	sdelay $0x2  }
0xcb: {  	s21 =	sadd.s32 $0x88, s21;
	s5 =	sadd.s32 s5, s0  }
0xcc: {  	s31 =	sadd.s32 $0x1, s31  }
0xcd: {  	p1 =	sne.s32 s31, $0xC  }
.Ltmp10:
0xce: {  	_ = 	snop;
	(pc) =	sbr.rel @p1 .LBB2_2-.Ltmp10, $4  }
0xcf: {  	[hbm4b:s5+s2] =	stream.linear.scatter [tilespmem:s3], [sflag:$0x3], $0x80, $0x38;
	[tilespmem:$0x19000] =	vst v63  }
0xd0: {  	_ =	swait.ge [sflag:s22], $0x2000  }
0xd1: {  	[sflag:s22] =	ssyncset.done $0x0  }
0xd2: {  	[sflag:s22] =	ssyncadd.s32 $0xFFFFE000  }
0xd3: {  	s0 =	simm.s32 $0x0  }
0xd4: {  	s3 =	simm.s32 $0x1;
	s8 =	simm.s32 $0x2;
	s21 =	simm.s32 $0x3  }
0xd5: {  	s24 =	simm.s32 $0x0;
	s5 =	simm.s32 $0x5;
	s0 =	sand.u32 $0x38, s0;
	v3 =	vmov s3;
	v4 =	vmov s8;
	v6 =	vmov s21  }
0xd6: {  	s6 =	simm.s32 $0x6;
	s30 =	simm.s32 $0x7;
	v8 =	vmov s24;
	v21 =	vmov s5;
	v2 =	vmov s0  }
0xd7: {  	v20 =	vmov s6;
	v15 =	vmov s30;
	v2 =	vmul.u32 $0x88, v2  }
0xd8: {  	v5 =	vand.u32 $0x5, v3;
	v7 =	vand.u32 $0x78, v6;
	v6 =	vand.u32 $0x7, v6  }
0xd9: {  	v9 =	vand.u32 $0x6, v4;
	v10 =	vand.u32 $0x78, v4;
	v2 =	vbroadcast v2, $0x0  }
0xda: {  	_ =	swait.ge [sflag:s26], $0x8000;
	v11 =	vand.u32 $0x78, v3;
	v12 =	vand.u32 $0x78, v8;
	v26 =	vand.u32 $0x4, v8  }
0xdb: {  	s25 =	simm.s32 $0x0;
	[sflag:s26] =	ssyncset.done $0x0;
	v4 =	vadd.s32 v0, v2;
	v18 =	vadd.s32 v1, v2;
	v2 =	vand.u32 $0x5, v21  }
0xdc: {  	s3 =	sand.u32 $0x38, s25;
	[sflag:s26] =	ssyncadd.s32 $0xFFFF8000;
	s0 =	simm.s32 $0x840;
	v3 =	vadd.s32 v11, v4;
	v13 =	vadd.s32 v10, v4;
	v14 =	vadd.s32 v7, v4  }
0xdd: {  	v19 =	vld [tilespmem:s0+$0x20];
	v17 =	vadd.s32 v12, v4;
	v4 =	vmov s3;
	v14 =	vor.u32 v6, v14  }
0xde: {  	v23 =	vld [tilespmem:s0+$0xFFFFFFE0];
	v27 =	vadd.s32 v12, v18;
	v11 =	vadd.s32 v11, v18;
	v16 =	vor.u32 v5, v3  }
0xdf: {  	v24 =	vld [tilespmem:s0+$0x0];
	v13 =	vor.u32 v9, v13;
	v3 =	vadd.s32 v7, v18;
	v4 =	vmul.u32 $0x88, v4  }
0xe0: {  	s3 =	simm.s32 $0x8C0;
	v7 =	vand.u32 $0x78, v15;
	v12 =	vor.u32 v5, v11;
	v11 =	vand.u32 $0x78, v21  }
0xe1: {  	v21 =	vld [tilespmem:s3+$0x20];
	v8 =	vor.u32 v6, v3;
	v3 =	vand.u32 $0x7, v15;
	v15 =	vbroadcast v4, $0x0  }
0xe2: {  	s31 =	simm.s32 $0x4;
	v5 =	vand.u32 $0x78, v20;
	v6 =	vld [tilespmem:s3+$0xFFFFFFE0];
	v4 =	vand.u32 $0x6, v20;
	v20 =	vor.u32 v26, v17;
	[tilespmem:v14+s28+$0x0] =	vst.idx.msk $0xffff, v19  }
0xe3: {  	v22 =	vmov s31;
	v25 =	vadd.s32 v0, v15;
	v19 =	vld [tilespmem:s0+$0xFFFFFFC0];
	[tilespmem:v16+s28+$0x0] =	vst.idx.msk $0xffff, v23;
	v14 =	vadd.s32 v10, v18  }
0xe4: {  	v10 =	vand.u32 $0x78, v22;
	v17 =	vadd.s32 v11, v25;
	[tilespmem:v13+s28+$0x0] =	vst.idx.msk $0xffff, v24;
	v23 =	vld [tilespmem:s0+$0xFFFFFFF0];
	v13 =	vor.u32 v9, v14  }
0xe5: {  	v16 =	vld [tilespmem:s0+$0x30];
	v17 =	vor.u32 v2, v17;
	v9 =	vadd.s32 v5, v25;
	v14 =	vadd.s32 v7, v25  }
0xe6: {  	s7 =	simm.s32 $0x940;
	s21 =	simm.s32 $0x8;
	v18 =	vld [tilespmem:s0+$0x10];
	v9 =	vor.u32 v4, v9;
	v24 =	vor.u32 v3, v14;
	v14 =	vor.u32 v26, v27  }
.LBB2_24:
0xe7: {  	s5 =	sshrl.u32 s21, $0x4  }
0xe8: {  	s6 =	sadd.s32 $0x1, s21;
	v26 =	vld [tilespmem:s7+$0xFFFFFFE0];
	s8 =	sadd.s32 $0x2, s21;
	v27 =	vand.u32 $0x4, v22;
	v25 =	vadd.s32 v10, v25;
	v28 =	vadd.s32 v1, v15;
	[tilespmem:v20+s28+$0x0] =	vst.idx.msk $0xffff, v19;
	s24 =	smov.u32 s21  }
0xe9: {  	s5 =	sand.u32 $0x38, s5;
	v29 =	vmov s6;
	v20 =	vmov s8;
	s6 =	sadd.s32 $0x3, s24;
	s8 =	sadd.s32 $0x4, s21;
	v15 =	vadd.s32 v7, v28;
	v30 =	vld [tilespmem:s0+$0xFFFFFFD0];
	[tilespmem:v12+s28+$0x0] =	vst.idx.msk $0xffff, v23  }
0xea: {  	p1 =	slt.u32 s21, $0x3FC;
	s0 =	smov.u32 s3;
	s3 =	smov.u32 s7;
	v7 =	vmov s5;
	v23 =	vand.u32 $0x5, v29;
	v12 =	vmov s6;
	[tilespmem:v8+s28+$0x0] =	vst.idx.msk $0xffff, v16  }
0xeb: {  	v8 =	vor.u32 v3, v15;
	v16 =	vmul.u32 $0x88, v7;
	v7 =	vand.u32 $0x78, v12;
	v31 =	vld [tilespmem:s0+$0x0];
	[tilespmem:v13+s28+$0x0] =	vst.idx.msk $0xffff, v18  }
0xec: {  	v32 =	vadd.s32 v10, v28;
	v10 =	vadd.s32 v11, v28;
	v3 =	vand.u32 $0x7, v12;
	[tilespmem:v24+s28+$0x0] =	vst.idx.msk $0xffff, v21  }
0xed: {  	v12 =	vor.u32 v2, v10;
	v21 =	vand.u32 $0x6, v20;
	v15 =	vbroadcast v16, $0x0;
	v19 =	vld [tilespmem:s0+$0xFFFFFFC0];
	[tilespmem:v17+s28+$0x0] =	vst.idx.msk $0xffff, v6;
	v6 =	vmovc v26  }
.Ltmp11:
0xee: {  	v22 =	vmov s24;
	v10 =	vand.u32 $0x78, v20;
	v2 =	vmovc v23;
	v20 =	vor.u32 v27, v25;
	v16 =	vld [tilespmem:s0+$0x30];
	[tilespmem:v14+s28+$0x0] =	vst.idx.msk $0xffff, v30;
	(pc) =	sbr.rel @p1 .LBB2_24-.Ltmp11, $4  }
0xef: {  	v11 =	vand.u32 $0x78, v29;
	v13 =	vadd.s32 v5, v28;
	v5 =	vmovc v10;
	v25 =	vadd.s32 v0, v15;
	v23 =	vld [tilespmem:s0+$0xFFFFFFF0]  }
0xf0: {  	v10 =	vand.u32 $0x78, v22;
	v13 =	vor.u32 v4, v13;
	v14 =	vadd.s32 v11, v25;
	[tilespmem:v9+s28+$0x0] =	vst.idx.msk $0xffff, v31  }
0xf1: {  	v4 =	vmovc v21;
	v9 =	vadd.s32 v5, v25;
	v17 =	vor.u32 v2, v14;
	v14 =	vadd.s32 v7, v25;
	v18 =	vld [tilespmem:s0+$0x10]  }
0xf2: {  	s7 =	sadd.s32 $0x80, s7;
	s21 =	smov.u32 s8;
	v9 =	vor.u32 v4, v9;
	v21 =	vld [tilespmem:s3+$0x20];
	v24 =	vor.u32 v3, v14;
	v14 =	vor.u32 v27, v32  }
0xf3: {  	_ =	sdelay $0x3  }
0xf4: {  	v22 =	vand.u32 $0x4, v22;
	v25 =	vadd.s32 v10, v25;
	[tilespmem:v20+s28+$0x0] =	vst.idx.msk $0xffff, v19;
	v54 =	vld [tilespmem:s3+$0x0]  }
0xf5: {  	v55 =	vld [tilespmem:s3+$0xFFFFFFC0];
	[tilespmem:v8+s28+$0x0] =	vst.idx.msk $0xffff, v16;
	v56 =	vor.u32 v22, v25  }
0xf6: {  	v15 =	vadd.s32 v1, v15;
	[tilespmem:v17+s28+$0x0] =	vst.idx.msk $0xffff, v6  }
0xf7: {  	[tilespmem:v12+s28+$0x0] =	vst.idx.msk $0xffff, v23;
	v57 =	vld [tilespmem:s0+$0xFFFFFFD0];
	v11 =	vadd.s32 v11, v15  }
0xf8: {  	v58 =	vadd.s32 v7, v15;
	v59 =	vld [tilespmem:s3+$0xFFFFFFF0];
	v2 =	vor.u32 v2, v11;
	[tilespmem:v24+s28+$0x0] =	vst.idx.msk $0xffff, v21  }
0xf9: {  	v5 =	vadd.s32 v5, v15;
	v3 =	vor.u32 v3, v58;
	v60 =	vld [tilespmem:s3+$0x30];
	[tilespmem:v9+s28+$0x0] =	vst.idx.msk $0xffff, v54  }
0xfa: {  	v61 =	vadd.s32 v10, v15;
	v4 =	vor.u32 v4, v5;
	v62 =	vld [tilespmem:s3+$0x10];
	[tilespmem:v56+s28+$0x0] =	vst.idx.msk $0xffff, v55  }
0xfb: {  	[tilespmem:v13+s28+$0x0] =	vst.idx.msk $0xffff, v18;
	v9 =	vor.u32 v22, v61;
	v63 =	vld [tilespmem:s3+$0xFFFFFFD0]  }
0xfc: {  	[tilespmem:v14+s28+$0x0] =	vst.idx.msk $0xffff, v57  }
0xfd: {  	[tilespmem:v2+s28+$0x0] =	vst.idx.msk $0xffff, v59  }
0xfe: {  	[tilespmem:v3+s28+$0x0] =	vst.idx.msk $0xffff, v60  }
0xff: {  	s5 =	sadd.s32 $0x0, s17;
	[tilespmem:v4+s28+$0x0] =	vst.idx.msk $0xffff, v62  }
0x100: {  	s7 =	simm.s32 $0x10888;
	s0 =	simm.s32 $0x10800;
	s3 =	simm.s32 $0x10;
	[tilespmem:v9+s28+$0x0] =	vst.idx.msk $0xffff, v63  }
.LBB2_26:
0x101: {  	[hbm4b:s5+s2] =	stream.linear.scatter [tilespmem:s0], [sflag:$0x3], $0x80, $0x38;
	[tilespmem:$0x19000] =	vst v63  }
0x102: {  	s5 =	smov.u32 s3;
	s0 =	smov.u32 s7;
	p1 =	sne.s32 s3, $0x3F0  }
.Ltmp12:
0x103: {  	s3 =	sadd.s32 $0x10, s3;
	(pc) =	sbr.rel @p1 .LBB2_26-.Ltmp12, $2  }
0x104: {  	_ =	sdelay $0x2  }
0x105: {  	s7 =	sadd.s32 $0x88, s7;
	s5 =	sadd.s32 s5, s17  }
0x106: {  	[hbm4b:s5+s2] =	stream.linear.scatter [tilespmem:s0], [sflag:$0x3], $0x80, $0x38;
	[tilespmem:$0x19000] =	vst v63  }
0x107: {  	_ =	swait.ge [sflag:s22], $0x2000  }
0x108: {  	s0 =	simm.s32 $0x12A00;
	s3 =	simm.s32 $0x10;
	[sflag:s22] =	ssyncset.done $0x0  }
0x109: {  	s5 =	sadd.s32 $0x0, s18;
	s7 =	simm.s32 $0x12A88;
	[sflag:s22] =	ssyncadd.s32 $0xFFFFE000  }
.LBB2_28:
0x10a: {  	[hbm4b:s5+s2] =	stream.linear.scatter [tilespmem:s0], [sflag:$0x3], $0x80, $0x38;
	[tilespmem:$0x19000] =	vst v63  }
0x10b: {  	s5 =	smov.u32 s3;
	s0 =	smov.u32 s7;
	p1 =	sne.s32 s3, $0x3F0  }
.Ltmp13:
0x10c: {  	s3 =	sadd.s32 $0x10, s3;
	(pc) =	sbr.rel @p1 .LBB2_28-.Ltmp13, $2  }
0x10d: {  	_ =	sdelay $0x2  }
0x10e: {  	s7 =	sadd.s32 $0x88, s7;
	s5 =	sadd.s32 s5, s18  }
0x10f: {  	[hbm4b:s5+s2] =	stream.linear.scatter [tilespmem:s0], [sflag:$0x3], $0x80, $0x38;
	[tilespmem:$0x19000] =	vst v63  }
0x110: {  	_ =	swait.ge [sflag:s22], $0x2000  }
0x111: {  	s0 =	simm.s32 $0x14C00;
	s3 =	simm.s32 $0x10;
	[sflag:s22] =	ssyncset.done $0x0  }
0x112: {  	s5 =	sadd.s32 $0x0, s19;
	s7 =	simm.s32 $0x14C88;
	[sflag:s22] =	ssyncadd.s32 $0xFFFFE000  }
.LBB2_30:
0x113: {  	[hbm4b:s5+s2] =	stream.linear.scatter [tilespmem:s0], [sflag:$0x3], $0x80, $0x38;
	[tilespmem:$0x19000] =	vst v63  }
0x114: {  	s5 =	smov.u32 s3;
	s0 =	smov.u32 s7;
	p1 =	sne.s32 s3, $0x3F0  }
.Ltmp14:
0x115: {  	s3 =	sadd.s32 $0x10, s3;
	(pc) =	sbr.rel @p1 .LBB2_30-.Ltmp14, $2  }
0x116: {  	_ =	sdelay $0x2  }
0x117: {  	s7 =	sadd.s32 $0x88, s7;
	s5 =	sadd.s32 s5, s19  }
0x118: {  	[hbm4b:s5+s2] =	stream.linear.scatter [tilespmem:s0], [sflag:$0x3], $0x80, $0x38;
	[tilespmem:$0x19000] =	vst v63  }
0x119: {  	_ =	swait.ge [sflag:s22], $0x2000  }
0x11a: {  	s0 =	simm.s32 $0x16E00;
	s3 =	simm.s32 $0x10;
	[sflag:s22] =	ssyncset.done $0x0  }
0x11b: {  	s5 =	sadd.s32 $0x0, s20;
	s7 =	simm.s32 $0x16E88;
	[sflag:s22] =	ssyncadd.s32 $0xFFFFE000  }
.LBB2_32:
0x11c: {  	[hbm4b:s5+s2] =	stream.linear.scatter [tilespmem:s0], [sflag:$0x3], $0x80, $0x38;
	[tilespmem:$0x19000] =	vst v63  }
0x11d: {  	s5 =	smov.u32 s3;
	s0 =	smov.u32 s7;
	p1 =	sne.s32 s3, $0x3F0  }
.Ltmp15:
0x11e: {  	s3 =	sadd.s32 $0x10, s3;
	(pc) =	sbr.rel @p1 .LBB2_32-.Ltmp15, $2  }
0x11f: {  	_ =	sdelay $0x2  }
0x120: {  	s7 =	sadd.s32 $0x88, s7;
	s5 =	sadd.s32 s5, s20  }
0x121: {  	[hbm4b:s5+s2] =	stream.linear.scatter [tilespmem:s0], [sflag:$0x3], $0x80, $0x38;
	[tilespmem:$0x19000] =	vst v63  }
0x122: {  	_ =	swait.ge [sflag:s22], $0x2000  }
0x123: {  	s3 =	rddreg [dreg:$0x8]  }
0x124: {  	s31 =	rddreg [dreg:$0x7];
	s3 =	sadd.s32 $0x1, s3  }
0x125: {  	p1 =	sne.s32 s3, s31  }
.Ltmp16:
0x126: {  	_ = 	snop;
	(pc) =	sbr.rel @p1 .LBB2_1-.Ltmp16, $3  }
0x127: {  	_ =	sdelay $0x1  }
0x128: {  	[sflag:s22] =	ssyncset.done $0x0  }
0x129: {  	[sflag:s22] =	ssyncadd.s32 $0xFFFFE000  }
0x12a: {  	_ =	sfence.sel $0x180000  }
0x12b: {  	[bflag:$0x0] =	sbarrier.arrive $0xFFFF  }
0x12c: {  	_ =	strace $0x90000047  }
0x12d: {  	s0 =	stileid.u32;
	[bflag:$0x2] =	sbarrier.arrive $0xFFFF  }
0x12e: {  	p0 =	sne.s32 s0, $0x0;
	s0 =	rddreg [dreg:$0x2]  }
0x12f: {  	s0 =	sadd.s32 @!p0 $0x100000, s0  }
0x130: {  	[sflag:s0] =	ssyncadd.tile.s32 @!p0 $0x1;
	_ =	shalt  }
.Lfunc_end2:
_tile_overlayer_lowered:
.L_overlay_start_2:
0x131: {  	(tag) =	ssettag $0x2  }
0x132: {  	s0 =	rddreg [dreg:$0x0];
	s2 =	stileid.u32  }
0x133: {  	s1 =	rddreg [dreg:$0x1];
	p0 =	sne.s32 s2, $0x0  }
0x134: {  	s3 =	rddreg [dreg:$0x2];
	[bflag:$0x3] =	sbarrier.arrive $0xFFFF;
	s2 =	simm.s32 @!p0 $0x1C03  }
0x135: {  	[timem:s3], [sflag:s2] =	dma.local @!p0 [hbm:s0], s1  }
0x136: {  	s0 =	simm.s32 @!p0 $0x3  }
0x137: {  	_ =	swait.ge @!p0 [sflag:s0], s1  }
0x138: {  	s1 =	ssub.s32 @!p0 $0x0, s1;
	[sflag:s0] =	ssyncset.done @!p0 $0x0  }
0x139: {  	[sflag:s0] =	ssyncadd.s32 @!p0 s1  }
0x13a: {  	[bflag:$0x3] =	sbarrier.arrive $0xFFFF  }
0x13b: {  	_ =	shalt  }

</sc_bundles>
